<compile_context>
chip_gen: v7x
topology: tpu7x:2x2x1
jax: 0.10.2.dev20260603
libtpu: 0.0.44.dev20260713+nightly
codegen_flags: <defaults>
</compile_context>

<pallas_src>
import functools

import jax
import jax.numpy as jnp
from jax import lax
from jax.experimental import pallas as pl
from jax.experimental.pallas import tpu as pltpu
from jax.experimental.pallas import tpu_sc as plsc

_BATCH = 16384
_D = 64
_H1 = 500
_H2 = 250
_N = 1000000

_PW = 4096
_RQ = _PW // 4
_NPACK = (_N + _PW - 1) // _PW
_QROWS = _NPACK * _RQ

_NC = 2
_NS = 16
_NW = _NC * _NS
_BPW = _BATCH // _NW
_CHUNK = 256


def _pack_block(tu_ref, tm_ref, ou_ref, om_ref):
    q = _RQ
    for t_ref, o_ref in ((tu_ref, ou_ref), (tm_ref, om_ref)):
        u = jax.lax.bitcast_convert_type(t_ref[...], jnp.uint32)
        w = ((u[: _D // 2] >> 16) | (u[_D // 2:] & jnp.uint32(0xFFFF0000)))
        t32 = jnp.transpose(w.astype(jnp.int32), (1, 0))
        o_ref[...] = jnp.concatenate(
            [t32[:q], t32[q:2 * q], t32[2 * q:3 * q], t32[3 * q:]], axis=1)


def _pack(ttu, ttm):
    return pl.pallas_call(
        _pack_block,
        grid=(_NPACK,),
        in_specs=[
            pl.BlockSpec((_D, _PW), lambda i: (0, i)),
            pl.BlockSpec((_D, _PW), lambda i: (0, i)),
        ],
        out_specs=[
            pl.BlockSpec((_RQ, 2 * _D), lambda i: (i, 0)),
            pl.BlockSpec((_RQ, 2 * _D), lambda i: (i, 0)),
        ],
        out_shape=[
            jax.ShapeDtypeStruct((_QROWS, 2 * _D), jnp.int32),
            jax.ShapeDtypeStruct((_QROWS, 2 * _D), jnp.int32),
        ],
    )(ttu, ttm)


@functools.cache
def _make_sc_gather():
    mesh = plsc.VectorSubcoreMesh(core_axis_name="c", subcore_axis_name="s")

    @functools.partial(
        pl.kernel,
        mesh=mesh,
        out_type=(
            jax.ShapeDtypeStruct((_BATCH, 2 * _D), jnp.int32),
            jax.ShapeDtypeStruct((_BATCH, 2 * _D), jnp.int32),
        ),
        scratch_types=[
            pltpu.VMEM((_BPW,), jnp.int32),
            pltpu.VMEM((_BPW,), jnp.int32),
            pltpu.VMEM((_CHUNK,), jnp.int32),
            pltpu.VMEM((_CHUNK,), jnp.int32),
            pltpu.VMEM((_CHUNK, 2 * _D), jnp.int32),
            pltpu.VMEM((_CHUNK, 2 * _D), jnp.int32),
            pltpu.SemaphoreType.DMA,
            pltpu.SemaphoreType.DMA,
        ],
    )
    def gather_kernel(uid_hbm, mid_hbm, up_hbm, mp_hbm, xu_out, xm_out,
                      uid_v, mid_v, qu_v, qm_v, du_v, dm_v, sem_u, sem_m):
        wid = lax.axis_index("s") * _NC + lax.axis_index("c")
        base = wid * _BPW
        pltpu.sync_copy(uid_hbm.at[pl.ds(base, _BPW)], uid_v)
        pltpu.sync_copy(mid_hbm.at[pl.ds(base, _BPW)], mid_v)
        for ch in range(_BPW // _CHUNK):
            off = ch * _CHUNK
            for g in range(_CHUNK // 16):
                u = uid_v[pl.ds(off + g * 16, 16)]
                m = mid_v[pl.ds(off + g * 16, 16)]
                qu_v[pl.ds(g * 16, 16)] = ((u >> 12) << 10) | (u & 1023)
                qm_v[pl.ds(g * 16, 16)] = ((m >> 12) << 10) | (m & 1023)
            cu = pltpu.async_copy(up_hbm.at[qu_v], du_v, sem_u)
            cm = pltpu.async_copy(mp_hbm.at[qm_v], dm_v, sem_m)
            cu.wait()
            cm.wait()
            pltpu.sync_copy(du_v, xu_out.at[pl.ds(base + off, _CHUNK)])
            pltpu.sync_copy(dm_v, xm_out.at[pl.ds(base + off, _CHUNK)])

    return gather_kernel


_BB = 2048


def _select_unpack(x32, sel):
    g01 = jnp.where(sel < 0.5, x32[:, 0:32], x32[:, 32:64])
    g23 = jnp.where(sel < 2.5, x32[:, 64:96], x32[:, 96:128])
    g = jnp.where(sel < 1.5, g01, g23)
    lo = jax.lax.bitcast_convert_type((g & 0xFFFF) << 16, jnp.float32)
    hi = jax.lax.bitcast_convert_type(g & jnp.int32(-65536), jnp.float32)
    return jnp.concatenate([lo, hi], axis=1)


def _mlp_block(xu_ref, xm_ref, hu_ref, hm_ref, w1_ref, b1_ref, g1_ref,
               be1_ref, w2_ref, b2_ref, g2_ref, be2_ref, w3_ref, b3_ref,
               out_ref):
    uf = _select_unpack(xu_ref[...], hu_ref[...][:, :1])
    mf = _select_unpack(xm_ref[...], hm_ref[...][:, :1])
    x = jnp.concatenate([uf, mf], axis=1)
    h = jnp.dot(x, w1_ref[...], preferred_element_type=jnp.float32) + b1_ref[...]
    mu = jnp.mean(h, axis=-1, keepdims=True)
    var = jnp.mean((h - mu) ** 2, axis=-1, keepdims=True)
    h = (h - mu) * lax.rsqrt(var + 1e-5) * g1_ref[...] + be1_ref[...]
    h = jnp.maximum(h, 0.0)
    h = jnp.dot(h, w2_ref[...], preferred_element_type=jnp.float32) + b2_ref[...]
    mu = jnp.mean(h, axis=-1, keepdims=True)
    var = jnp.mean((h - mu) ** 2, axis=-1, keepdims=True)
    h = (h - mu) * lax.rsqrt(var + 1e-5) * g2_ref[...] + be2_ref[...]
    h = jnp.maximum(h, 0.0)
    o = jnp.sum(h * w3_ref[...], axis=-1, keepdims=True) + b3_ref[...]
    out_ref[...] = jax.nn.sigmoid(o) * 5.5


def _mlp(xu, xm, hu8, hm8, w1, b1, g1, be1, w2, b2, g2, be2, w3t, b3):
    grid = _BATCH // _BB
    full = lambda shape: pl.BlockSpec(shape, lambda i: (0,) * len(shape))
    return pl.pallas_call(
        _mlp_block,
        grid=(grid,),
        in_specs=[
            pl.BlockSpec((_BB, 2 * _D), lambda i: (i, 0)),
            pl.BlockSpec((_BB, 2 * _D), lambda i: (i, 0)),
            pl.BlockSpec((_BB, 8), lambda i: (i, 0)),
            pl.BlockSpec((_BB, 8), lambda i: (i, 0)),
            full((2 * _D, _H1)),
            full((1, _H1)),
            full((1, _H1)),
            full((1, _H1)),
            full((_H1, _H2)),
            full((1, _H2)),
            full((1, _H2)),
            full((1, _H2)),
            full((1, _H2)),
            full((1, 1)),
        ],
        out_specs=pl.BlockSpec((_BB, 1), lambda i: (i, 0)),
        out_shape=jax.ShapeDtypeStruct((_BATCH, 1), jnp.float32),
    )(xu, xm, hu8, hm8, w1, b1, g1, be1, w2, b2, g2, be2, w3t, b3)


def kernel(user_ids, movie_ids, user_table, movie_table,
           W1, b1, g1, be1, W2, b2, g2, be2, W3, b3):
    uid = user_ids.astype(jnp.int32)
    mid = movie_ids.astype(jnp.int32)
    upack, mpack = _pack(user_table.T, movie_table.T)
    xu, xm = _make_sc_gather()(uid, mid, upack, mpack)
    hu8 = jnp.broadcast_to(
        ((uid >> 10) & 3).astype(jnp.float32)[:, None], (_BATCH, 8))
    hm8 = jnp.broadcast_to(
        ((mid >> 10) & 3).astype(jnp.float32)[:, None], (_BATCH, 8))
    out = _mlp(
        xu, xm, hu8, hm8, W1,
        b1.reshape(1, _H1), g1.reshape(1, _H1), be1.reshape(1, _H1),
        W2,
        b2.reshape(1, _H2), g2.reshape(1, _H2), be2.reshape(1, _H2),
        W3.reshape(1, _H2), b3.reshape(1, 1),
    )
    return out

# --- scband reference (transcript-rebuilt; emitter-appended) ---
"""Pipeline reference for scband-neural-collaborative-filtering-16149077033599 (READ-ONLY COPY).

The authoritative reference and input builder live on the scoring server;
editing this copy changes nothing except your own understanding.
"""

import jax, jax.numpy as jnp
import numpy as np

N_USERS = 1000000
N_MOVIES = 1000000
N_FACTORS = 64
N_HIDDEN = 500
BATCH = 16384


def _layernorm(x, g, b, eps=1e-5):
    mu = jnp.mean(x, axis=-1, keepdims=True)
    var = jnp.mean((x - mu) ** 2, axis=-1, keepdims=True)
    return (x - mu) / jnp.sqrt(var + eps) * g + b


def setup_inputs(seed: int = 0) -> dict:
    key = jax.random.key(seed)
    ks = jax.random.split(key, 10)
    user_ids = jax.random.randint(ks[0], (BATCH,), 0, N_USERS)
    movie_ids = jax.random.randint(ks[1], (BATCH,), 0, N_MOVIES)
    user_table = jax.random.normal(ks[2], (N_USERS, N_FACTORS), dtype=jnp.float32) * 0.05
    movie_table = jax.random.normal(ks[3], (N_MOVIES, N_FACTORS), dtype=jnp.float32) * 0.05
    W1 = jax.random.normal(ks[4], (2 * N_FACTORS, N_HIDDEN), dtype=jnp.float32) * (1.0 / np.sqrt(2 * N_FACTORS))
    b1 = jnp.zeros((N_HIDDEN,), dtype=jnp.float32)
    g1 = jnp.ones((N_HIDDEN,), dtype=jnp.float32)
    be1 = jnp.zeros((N_HIDDEN,), dtype=jnp.float32)
    W2 = jax.random.normal(ks[5], (N_HIDDEN, 250), dtype=jnp.float32) * (1.0 / np.sqrt(N_HIDDEN))
    b2 = jnp.zeros((250,), dtype=jnp.float32)
    g2 = jnp.ones((250,), dtype=jnp.float32)
    be2 = jnp.zeros((250,), dtype=jnp.float32)
    W3 = jax.random.normal(ks[6], (250, 1), dtype=jnp.float32) * (1.0 / np.sqrt(250))
    b3 = jnp.zeros((1,), dtype=jnp.float32)
    return {
        "user_ids": user_ids, "movie_ids": movie_ids,
        "user_table": user_table, "movie_table": movie_table,
        "W1": W1, "b1": b1, "g1": g1, "be1": be1,
        "W2": W2, "b2": b2, "g2": g2, "be2": be2,
        "W3": W3, "b3": b3,
    }


def reference(user_ids, movie_ids, user_table, movie_table, W1, b1, g1, be1, W2, b2, g2, be2, W3, b3):
    # embedding lookups (gather)
    uf = jnp.take(user_table, user_ids, axis=0)
    mf = jnp.take(movie_table, movie_ids, axis=0)
    x = jnp.concatenate([uf, mf], axis=1)
    # Linear -> (Dropout is identity in eval) -> LayerNorm -> ReLU
    h = x @ W1 + b1
    h = jnp.maximum(_layernorm(h, g1, be1), 0.0)
    h = h @ W2 + b2
    h = jnp.maximum(_layernorm(h, g2, be2), 0.0)
    out = h @ W3 + b3
    return jax.nn.sigmoid(out) * 5.5

if __name__ == "__main__":
    import jax
    _d = setup_inputs()
    print(jax.jit(kernel)(*tuple(_d.values())))

</pallas_src>

<mosaic_0001>
#map = affine_map<(d0, d1) -> (0)>
#map1 = affine_map<(d0, d1) -> (0, 0)>
module attributes {stable_mosaic.version = 14 : i64} {
  func.func @gather_kernel(%arg0: i32, %arg1: i32, %arg2: memref<16384xi32, #tpu.memory_space<hbm>>, %arg3: memref<16384xi32, #tpu.memory_space<hbm>>, %arg4: memref<250880x128xi32, #tpu.memory_space<hbm>>, %arg5: memref<250880x128xi32, #tpu.memory_space<hbm>>, %arg6: memref<16384x128xi32, #tpu.memory_space<hbm>>, %arg7: memref<16384x128xi32, #tpu.memory_space<hbm>>, %arg8: memref<512xi32, #tpu.memory_space<vmem>>, %arg9: memref<512xi32, #tpu.memory_space<vmem>>, %arg10: memref<256xi32, #tpu.memory_space<vmem>>, %arg11: memref<256xi32, #tpu.memory_space<vmem>>, %arg12: memref<256x128xi32, #tpu.memory_space<vmem>>, %arg13: memref<256x128xi32, #tpu.memory_space<vmem>>, %arg14: memref<!tpu.dma_semaphore, #tpu.memory_space<semaphore_mem>>, %arg15: memref<!tpu.dma_semaphore, #tpu.memory_space<semaphore_mem>>) attributes {dimension_semantics = [#tpu.dimension_semantics<core_parallel>, #tpu.dimension_semantics<subcore_parallel>], iteration_bounds = array<i64: 2, 16>, scalar_prefetch = 0 : i64, scratch_operands = 8 : i64, tpu.core_type = #tpu.core_type<sc_vector_subcore>, window_params = [{transform_indices = #map}, {transform_indices = #map}, {transform_indices = #map1}, {transform_indices = #map1}, {transform_indices = #map1}, {transform_indices = #map1}]} {
    %mul3A = arith.constant 2 : i32
    %mul3A_0 = arith.muli %arg1, %mul3A : i32
    %add3A = arith.addi %mul3A_0, %arg0 : i32
    %mul3A_1 = arith.constant 512 : i32
    %mul3A_2 = arith.muli %add3A, %mul3A_1 : i32
    "tpu.region"() ({
      %run_scoped3A = tpu.sem_alloc : memref<!tpu.dma_semaphore, #tpu.memory_space<semaphore_mem>>
      %dma_start3A_1115 = tpu.memref_slice %arg2[%mul3A_2] : memref<16384xi32, #tpu.memory_space<hbm>> -> memref<512xi32, #tpu.memory_space<hbm>>
      %dma_start3A_1116 = tpu.memref_slice %arg2[%mul3A_2] : memref<16384xi32, #tpu.memory_space<hbm>> -> memref<512xi32, #tpu.memory_space<hbm>>
      tpu.enqueue_dma source(%dma_start3A_1116 : memref<512xi32, #tpu.memory_space<hbm>>) target(%arg8 : memref<512xi32, #tpu.memory_space<vmem>>) target_semaphore(%run_scoped3A : memref<!tpu.dma_semaphore, #tpu.memory_space<semaphore_mem>>)
      %dma_wait3A_1117 = tpu.memref_slice %arg2[%mul3A_2] : memref<16384xi32, #tpu.memory_space<hbm>> -> memref<512xi32, #tpu.memory_space<hbm>>
      %dma_wait3A_1118 = tpu.memref_slice %arg2[%mul3A_2] : memref<16384xi32, #tpu.memory_space<hbm>> -> memref<512xi32, #tpu.memory_space<hbm>>
      tpu.wait_dma2 semaphore(%run_scoped3A : memref<!tpu.dma_semaphore, #tpu.memory_space<semaphore_mem>>) src(%dma_wait3A_1118 : memref<512xi32, #tpu.memory_space<hbm>>) dst(%arg8 : memref<512xi32, #tpu.memory_space<vmem>>)
      tpu.yield
    }) : () -> ()
    "tpu.region"() ({
      %run_scoped3A = tpu.sem_alloc : memref<!tpu.dma_semaphore, #tpu.memory_space<semaphore_mem>>
      %dma_start3A_1115 = tpu.memref_slice %arg3[%mul3A_2] : memref<16384xi32, #tpu.memory_space<hbm>> -> memref<512xi32, #tpu.memory_space<hbm>>
      %dma_start3A_1116 = tpu.memref_slice %arg3[%mul3A_2] : memref<16384xi32, #tpu.memory_space<hbm>> -> memref<512xi32, #tpu.memory_space<hbm>>
      tpu.enqueue_dma source(%dma_start3A_1116 : memref<512xi32, #tpu.memory_space<hbm>>) target(%arg9 : memref<512xi32, #tpu.memory_space<vmem>>) target_semaphore(%run_scoped3A : memref<!tpu.dma_semaphore, #tpu.memory_space<semaphore_mem>>)
      %dma_wait3A_1117 = tpu.memref_slice %arg3[%mul3A_2] : memref<16384xi32, #tpu.memory_space<hbm>> -> memref<512xi32, #tpu.memory_space<hbm>>
      %dma_wait3A_1118 = tpu.memref_slice %arg3[%mul3A_2] : memref<16384xi32, #tpu.memory_space<hbm>> -> memref<512xi32, #tpu.memory_space<hbm>>
      tpu.wait_dma2 semaphore(%run_scoped3A : memref<!tpu.dma_semaphore, #tpu.memory_space<semaphore_mem>>) src(%dma_wait3A_1118 : memref<512xi32, #tpu.memory_space<hbm>>) dst(%arg9 : memref<512xi32, #tpu.memory_space<vmem>>)
      tpu.yield
    }) : () -> ()
    %get3A = arith.constant 0 : index
    %get3A_3 = tpu.vector_load %arg8[%get3A] {strides = array<i32>} : memref<512xi32, #tpu.memory_space<vmem>>, vector<16xi32>,
    %get3A_4 = vector.shape_cast %get3A_3 : vector<16xi32> to vector<16xi32>
    %get3A_5 = arith.constant 0 : index
    %get3A_6 = tpu.vector_load %arg9[%get3A_5] {strides = array<i32>} : memref<512xi32, #tpu.memory_space<vmem>>, vector<16xi32>,
    %get3A_7 = vector.shape_cast %get3A_6 : vector<16xi32> to vector<16xi32>
    %shift_right_arithmetic3A = arith.constant 12 : i32
    %shift_right_arithmetic3A_8 = vector.broadcast %shift_right_arithmetic3A : i32 to vector<16xi32>
    %shift_right_arithmetic3A_9 = arith.shrsi %get3A_4, %shift_right_arithmetic3A_8 : vector<16xi32>
    %shift_left3A = arith.constant 10 : i32
    %shift_left3A_10 = vector.broadcast %shift_left3A : i32 to vector<16xi32>
    %shift_left3A_11 = arith.shli %shift_right_arithmetic3A_9, %shift_left3A_10 : vector<16xi32>
    %and3A = arith.constant 1023 : i32
    %and3A_12 = vector.broadcast %and3A : i32 to vector<16xi32>
    %and3A_13 = arith.andi %get3A_4, %and3A_12 : vector<16xi32>
    %or3A = arith.ori %shift_left3A_11, %and3A_13 : vector<16xi32>
    %swap3A = arith.constant 0 : index
    %swap3A_14 = tpu.vector_load %arg10[%swap3A] {strides = array<i32>} : memref<256xi32, #tpu.memory_space<vmem>>, vector<16xi32>,
    %swap3A_15 = vector.shape_cast %swap3A_14 : vector<16xi32> to vector<16xi32>
    %swap3A_16 = vector.shape_cast %or3A : vector<16xi32> to vector<16xi32>
    tpu.vector_store %arg10[%swap3A], %swap3A_16 {strides = array<i32>} : memref<256xi32, #tpu.memory_space<vmem>>, vector<16xi32>,
    %shift_right_arithmetic3A_17 = arith.constant 12 : i32
    %shift_right_arithmetic3A_18 = vector.broadcast %shift_right_arithmetic3A_17 : i32 to vector<16xi32>
    %shift_right_arithmetic3A_19 = arith.shrsi %get3A_7, %shift_right_arithmetic3A_18 : vector<16xi32>
    %shift_left3A_20 = arith.constant 10 : i32
    %shift_left3A_21 = vector.broadcast %shift_left3A_20 : i32 to vector<16xi32>
    %shift_left3A_22 = arith.shli %shift_right_arithmetic3A_19, %shift_left3A_21 : vector<16xi32>
    %and3A_23 = arith.constant 1023 : i32
    %and3A_24 = vector.broadcast %and3A_23 : i32 to vector<16xi32>
    %and3A_25 = arith.andi %get3A_7, %and3A_24 : vector<16xi32>
    %or3A_26 = arith.ori %shift_left3A_22, %and3A_25 : vector<16xi32>
    %swap3A_27 = arith.constant 0 : index
    %swap3A_28 = tpu.vector_load %arg11[%swap3A_27] {strides = array<i32>} : memref<256xi32, #tpu.memory_space<vmem>>, vector<16xi32>,
    %swap3A_29 = vector.shape_cast %swap3A_28 : vector<16xi32> to vector<16xi32>
    %swap3A_30 = vector.shape_cast %or3A_26 : vector<16xi32> to vector<16xi32>
    tpu.vector_store %arg11[%swap3A_27], %swap3A_30 {strides = array<i32>} : memref<256xi32, #tpu.memory_space<vmem>>, vector<16xi32>,
    %get3A_31 = arith.constant 16 : index
    %get3A_32 = tpu.vector_load %arg8[%get3A_31] {strides = array<i32>} : memref<512xi32, #tpu.memory_space<vmem>>, vector<16xi32>,
    %get3A_33 = vector.shape_cast %get3A_32 : vector<16xi32> to vector<16xi32>
    %get3A_34 = arith.constant 16 : index
    %get3A_35 = tpu.vector_load %arg9[%get3A_34] {strides = array<i32>} : memref<512xi32, #tpu.memory_space<vmem>>, vector<16xi32>,
    %get3A_36 = vector.shape_cast %get3A_35 : vector<16xi32> to vector<16xi32>
    %shift_right_arithmetic3A_37 = arith.constant 12 : i32
    %shift_right_arithmetic3A_38 = vector.broadcast %shift_right_arithmetic3A_37 : i32 to vector<16xi32>
    %shift_right_arithmetic3A_39 = arith.shrsi %get3A_33, %shift_right_arithmetic3A_38 : vector<16xi32>
    %shift_left3A_40 = arith.constant 10 : i32
    %shift_left3A_41 = vector.broadcast %shift_left3A_40 : i32 to vector<16xi32>
    %shift_left3A_42 = arith.shli %shift_right_arithmetic3A_39, %shift_left3A_41 : vector<16xi32>
    %and3A_43 = arith.constant 1023 : i32
    %and3A_44 = vector.broadcast %and3A_43 : i32 to vector<16xi32>
    %and3A_45 = arith.andi %get3A_33, %and3A_44 : vector<16xi32>
    %or3A_46 = arith.ori %shift_left3A_42, %and3A_45 : vector<16xi32>
    %swap3A_47 = arith.constant 16 : index
    %swap3A_48 = tpu.vector_load %arg10[%swap3A_47] {strides = array<i32>} : memref<256xi32, #tpu.memory_space<vmem>>, vector<16xi32>,
    %swap3A_49 = vector.shape_cast %swap3A_48 : vector<16xi32> to vector<16xi32>
    %swap3A_50 = vector.shape_cast %or3A_46 : vector<16xi32> to vector<16xi32>
    tpu.vector_store %arg10[%swap3A_47], %swap3A_50 {strides = array<i32>} : memref<256xi32, #tpu.memory_space<vmem>>, vector<16xi32>,
    %shift_right_arithmetic3A_51 = arith.constant 12 : i32
    %shift_right_arithmetic3A_52 = vector.broadcast %shift_right_arithmetic3A_51 : i32 to vector<16xi32>
    %shift_right_arithmetic3A_53 = arith.shrsi %get3A_36, %shift_right_arithmetic3A_52 : vector<16xi32>
    %shift_left3A_54 = arith.constant 10 : i32
    %shift_left3A_55 = vector.broadcast %shift_left3A_54 : i32 to vector<16xi32>
    %shift_left3A_56 = arith.shli %shift_right_arithmetic3A_53, %shift_left3A_55 : vector<16xi32>
    %and3A_57 = arith.constant 1023 : i32
    %and3A_58 = vector.broadcast %and3A_57 : i32 to vector<16xi32>
    %and3A_59 = arith.andi %get3A_36, %and3A_58 : vector<16xi32>
    %or3A_60 = arith.ori %shift_left3A_56, %and3A_59 : vector<16xi32>
    %swap3A_61 = arith.constant 16 : index
    %swap3A_62 = tpu.vector_load %arg11[%swap3A_61] {strides = array<i32>} : memref<256xi32, #tpu.memory_space<vmem>>, vector<16xi32>,
    %swap3A_63 = vector.shape_cast %swap3A_62 : vector<16xi32> to vector<16xi32>
    %swap3A_64 = vector.shape_cast %or3A_60 : vector<16xi32> to vector<16xi32>
    tpu.vector_store %arg11[%swap3A_61], %swap3A_64 {strides = array<i32>} : memref<256xi32, #tpu.memory_space<vmem>>, vector<16xi32>,
    %get3A_65 = arith.constant 32 : index
    %get3A_66 = tpu.vector_load %arg8[%get3A_65] {strides = array<i32>} : memref<512xi32, #tpu.memory_space<vmem>>, vector<16xi32>,
    %get3A_67 = vector.shape_cast %get3A_66 : vector<16xi32> to vector<16xi32>
    %get3A_68 = arith.constant 32 : index
    %get3A_69 = tpu.vector_load %arg9[%get3A_68] {strides = array<i32>} : memref<512xi32, #tpu.memory_space<vmem>>, vector<16xi32>,
    %get3A_70 = vector.shape_cast %get3A_69 : vector<16xi32> to vector<16xi32>
    %shift_right_arithmetic3A_71 = arith.constant 12 : i32
    %shift_right_arithmetic3A_72 = vector.broadcast %shift_right_arithmetic3A_71 : i32 to vector<16xi32>
    %shift_right_arithmetic3A_73 = arith.shrsi %get3A_67, %shift_right_arithmetic3A_72 : vector<16xi32>
    %shift_left3A_74 = arith.constant 10 : i32
    %shift_left3A_75 = vector.broadcast %shift_left3A_74 : i32 to vector<16xi32>
    %shift_left3A_76 = arith.shli %shift_right_arithmetic3A_73, %shift_left3A_75 : vector<16xi32>
    %and3A_77 = arith.constant 1023 : i32
    %and3A_78 = vector.broadcast %and3A_77 : i32 to vector<16xi32>
    %and3A_79 = arith.andi %get3A_67, %and3A_78 : vector<16xi32>
    %or3A_80 = arith.ori %shift_left3A_76, %and3A_79 : vector<16xi32>
    %swap3A_81 = arith.constant 32 : index
    %swap3A_82 = tpu.vector_load %arg10[%swap3A_81] {strides = array<i32>} : memref<256xi32, #tpu.memory_space<vmem>>, vector<16xi32>,
    %swap3A_83 = vector.shape_cast %swap3A_82 : vector<16xi32> to vector<16xi32>
    %swap3A_84 = vector.shape_cast %or3A_80 : vector<16xi32> to vector<16xi32>
    tpu.vector_store %arg10[%swap3A_81], %swap3A_84 {strides = array<i32>} : memref<256xi32, #tpu.memory_space<vmem>>, vector<16xi32>,
    %shift_right_arithmetic3A_85 = arith.constant 12 : i32
    %shift_right_arithmetic3A_86 = vector.broadcast %shift_right_arithmetic3A_85 : i32 to vector<16xi32>
    %shift_right_arithmetic3A_87 = arith.shrsi %get3A_70, %shift_right_arithmetic3A_86 : vector<16xi32>
    %shift_left3A_88 = arith.constant 10 : i32
    %shift_left3A_89 = vector.broadcast %shift_left3A_88 : i32 to vector<16xi32>
    %shift_left3A_90 = arith.shli %shift_right_arithmetic3A_87, %shift_left3A_89 : vector<16xi32>
    %and3A_91 = arith.constant 1023 : i32
    %and3A_92 = vector.broadcast %and3A_91 : i32 to vector<16xi32>
    %and3A_93 = arith.andi %get3A_70, %and3A_92 : vector<16xi32>
    %or3A_94 = arith.ori %shift_left3A_90, %and3A_93 : vector<16xi32>
    %swap3A_95 = arith.constant 32 : index
    %swap3A_96 = tpu.vector_load %arg11[%swap3A_95] {strides = array<i32>} : memref<256xi32, #tpu.memory_space<vmem>>, vector<16xi32>,
    %swap3A_97 = vector.shape_cast %swap3A_96 : vector<16xi32> to vector<16xi32>
    %swap3A_98 = vector.shape_cast %or3A_94 : vector<16xi32> to vector<16xi32>
    tpu.vector_store %arg11[%swap3A_95], %swap3A_98 {strides = array<i32>} : memref<256xi32, #tpu.memory_space<vmem>>, vector<16xi32>,
    %get3A_99 = arith.constant 48 : index
    %get3A_100 = tpu.vector_load %arg8[%get3A_99] {strides = array<i32>} : memref<512xi32, #tpu.memory_space<vmem>>, vector<16xi32>,
    %get3A_101 = vector.shape_cast %get3A_100 : vector<16xi32> to vector<16xi32>
    %get3A_102 = arith.constant 48 : index
    %get3A_103 = tpu.vector_load %arg9[%get3A_102] {strides = array<i32>} : memref<512xi32, #tpu.memory_space<vmem>>, vector<16xi32>,
    %get3A_104 = vector.shape_cast %get3A_103 : vector<16xi32> to vector<16xi32>
    %shift_right_arithmetic3A_105 = arith.constant 12 : i32
    %shift_right_arithmetic3A_106 = vector.broadcast %shift_right_arithmetic3A_105 : i32 to vector<16xi32>
    %shift_right_arithmetic3A_107 = arith.shrsi %get3A_101, %shift_right_arithmetic3A_106 : vector<16xi32>
    %shift_left3A_108 = arith.constant 10 : i32
    %shift_left3A_109 = vector.broadcast %shift_left3A_108 : i32 to vector<16xi32>
    %shift_left3A_110 = arith.shli %shift_right_arithmetic3A_107, %shift_left3A_109 : vector<16xi32>
    %and3A_111 = arith.constant 1023 : i32
    %and3A_112 = vector.broadcast %and3A_111 : i32 to vector<16xi32>
    %and3A_113 = arith.andi %get3A_101, %and3A_112 : vector<16xi32>
    %or3A_114 = arith.ori %shift_left3A_110, %and3A_113 : vector<16xi32>
    %swap3A_115 = arith.constant 48 : index
    %swap3A_116 = tpu.vector_load %arg10[%swap3A_115] {strides = array<i32>} : memref<256xi32, #tpu.memory_space<vmem>>, vector<16xi32>,
    %swap3A_117 = vector.shape_cast %swap3A_116 : vector<16xi32> to vector<16xi32>
    %swap3A_118 = vector.shape_cast %or3A_114 : vector<16xi32> to vector<16xi32>
    tpu.vector_store %arg10[%swap3A_115], %swap3A_118 {strides = array<i32>} : memref<256xi32, #tpu.memory_space<vmem>>, vector<16xi32>,
    %shift_right_arithmetic3A_119 = arith.constant 12 : i32
    %shift_right_arithmetic3A_120 = vector.broadcast %shift_right_arithmetic3A_119 : i32 to vector<16xi32>
    %shift_right_arithmetic3A_121 = arith.shrsi %get3A_104, %shift_right_arithmetic3A_120 : vector<16xi32>
    %shift_left3A_122 = arith.constant 10 : i32
    %shift_left3A_123 = vector.broadcast %shift_left3A_122 : i32 to vector<16xi32>
    %shift_left3A_124 = arith.shli %shift_right_arithmetic3A_121, %shift_left3A_123 : vector<16xi32>
    %and3A_125 = arith.constant 1023 : i32
    %and3A_126 = vector.broadcast %and3A_125 : i32 to vector<16xi32>
    %and3A_127 = arith.andi %get3A_104, %and3A_126 : vector<16xi32>
    %or3A_128 = arith.ori %shift_left3A_124, %and3A_127 : vector<16xi32>
    %swap3A_129 = arith.constant 48 : index
    %swap3A_130 = tpu.vector_load %arg11[%swap3A_129] {strides = array<i32>} : memref<256xi32, #tpu.memory_space<vmem>>, vector<16xi32>,
    %swap3A_131 = vector.shape_cast %swap3A_130 : vector<16xi32> to vector<16xi32>
    %swap3A_132 = vector.shape_cast %or3A_128 : vector<16xi32> to vector<16xi32>
    tpu.vector_store %arg11[%swap3A_129], %swap3A_132 {strides = array<i32>} : memref<256xi32, #tpu.memory_space<vmem>>, vector<16xi32>,
    %get3A_133 = arith.constant 64 : index
    %get3A_134 = tpu.vector_load %arg8[%get3A_133] {strides = array<i32>} : memref<512xi32, #tpu.memory_space<vmem>>, vector<16xi32>,
    %get3A_135 = vector.shape_cast %get3A_134 : vector<16xi32> to vector<16xi32>
    %get3A_136 = arith.constant 64 : index
    %get3A_137 = tpu.vector_load %arg9[%get3A_136] {strides = array<i32>} : memref<512xi32, #tpu.memory_space<vmem>>, vector<16xi32>,
    %get3A_138 = vector.shape_cast %get3A_137 : vector<16xi32> to vector<16xi32>
    %shift_right_arithmetic3A_139 = arith.constant 12 : i32
    %shift_right_arithmetic3A_140 = vector.broadcast %shift_right_arithmetic3A_139 : i32 to vector<16xi32>
    %shift_right_arithmetic3A_141 = arith.shrsi %get3A_135, %shift_right_arithmetic3A_140 : vector<16xi32>
    %shift_left3A_142 = arith.constant 10 : i32
    %shift_left3A_143 = vector.broadcast %shift_left3A_142 : i32 to vector<16xi32>
    %shift_left3A_144 = arith.shli %shift_right_arithmetic3A_141, %shift_left3A_143 : vector<16xi32>
    %and3A_145 = arith.constant 1023 : i32
    %and3A_146 = vector.broadcast %and3A_145 : i32 to vector<16xi32>
    %and3A_147 = arith.andi %get3A_135, %and3A_146 : vector<16xi32>
    %or3A_148 = arith.ori %shift_left3A_144, %and3A_147 : vector<16xi32>
    %swap3A_149 = arith.constant 64 : index
    %swap3A_150 = tpu.vector_load %arg10[%swap3A_149] {strides = array<i32>} : memref<256xi32, #tpu.memory_space<vmem>>, vector<16xi32>,
    %swap3A_151 = vector.shape_cast %swap3A_150 : vector<16xi32> to vector<16xi32>
    %swap3A_152 = vector.shape_cast %or3A_148 : vector<16xi32> to vector<16xi32>
    tpu.vector_store %arg10[%swap3A_149], %swap3A_152 {strides = array<i32>} : memref<256xi32, #tpu.memory_space<vmem>>, vector<16xi32>,
    %shift_right_arithmetic3A_153 = arith.constant 12 : i32
    %shift_right_arithmetic3A_154 = vector.broadcast %shift_right_arithmetic3A_153 : i32 to vector<16xi32>
    %shift_right_arithmetic3A_155 = arith.shrsi %get3A_138, %shift_right_arithmetic3A_154 : vector<16xi32>
    %shift_left3A_156 = arith.constant 10 : i32
    %shift_left3A_157 = vector.broadcast %shift_left3A_156 : i32 to vector<16xi32>
    %shift_left3A_158 = arith.shli %shift_right_arithmetic3A_155, %shift_left3A_157 : vector<16xi32>
    %and3A_159 = arith.constant 1023 : i32
    %and3A_160 = vector.broadcast %and3A_159 : i32 to vector<16xi32>
    %and3A_161 = arith.andi %get3A_138, %and3A_160 : vector<16xi32>
    %or3A_162 = arith.ori %shift_left3A_158, %and3A_161 : vector<16xi32>
    %swap3A_163 = arith.constant 64 : index
    %swap3A_164 = tpu.vector_load %arg11[%swap3A_163] {strides = array<i32>} : memref<256xi32, #tpu.memory_space<vmem>>, vector<16xi32>,
    %swap3A_165 = vector.shape_cast %swap3A_164 : vector<16xi32> to vector<16xi32>
    %swap3A_166 = vector.shape_cast %or3A_162 : vector<16xi32> to vector<16xi32>
    tpu.vector_store %arg11[%swap3A_163], %swap3A_166 {strides = array<i32>} : memref<256xi32, #tpu.memory_space<vmem>>, vector<16xi32>,
    %get3A_167 = arith.constant 80 : index
    %get3A_168 = tpu.vector_load %arg8[%get3A_167] {strides = array<i32>} : memref<512xi32, #tpu.memory_space<vmem>>, vector<16xi32>,
    %get3A_169 = vector.shape_cast %get3A_168 : vector<16xi32> to vector<16xi32>
    %get3A_170 = arith.constant 80 : index
    %get3A_171 = tpu.vector_load %arg9[%get3A_170] {strides = array<i32>} : memref<512xi32, #tpu.memory_space<vmem>>, vector<16xi32>,
    %get3A_172 = vector.shape_cast %get3A_171 : vector<16xi32> to vector<16xi32>
    %shift_right_arithmetic3A_173 = arith.constant 12 : i32
    %shift_right_arithmetic3A_174 = vector.broadcast %shift_right_arithmetic3A_173 : i32 to vector<16xi32>
    %shift_right_arithmetic3A_175 = arith.shrsi %get3A_169, %shift_right_arithmetic3A_174 : vector<16xi32>
    %shift_left3A_176 = arith.constant 10 : i32
    %shift_left3A_177 = vector.broadcast %shift_left3A_176 : i32 to vector<16xi32>
    %shift_left3A_178 = arith.shli %shift_right_arithmetic3A_175, %shift_left3A_177 : vector<16xi32>
    %and3A_179 = arith.constant 1023 : i32
    %and3A_180 = vector.broadcast %and3A_179 : i32 to vector<16xi32>
    %and3A_181 = arith.andi %get3A_169, %and3A_180 : vector<16xi32>
    %or3A_182 = arith.ori %shift_left3A_178, %and3A_181 : vector<16xi32>
    %swap3A_183 = arith.constant 80 : index
    %swap3A_184 = tpu.vector_load %arg10[%swap3A_183] {strides = array<i32>} : memref<256xi32, #tpu.memory_space<vmem>>, vector<16xi32>,
    %swap3A_185 = vector.shape_cast %swap3A_184 : vector<16xi32> to vector<16xi32>
    %swap3A_186 = vector.shape_cast %or3A_182 : vector<16xi32> to vector<16xi32>
    tpu.vector_store %arg10[%swap3A_183], %swap3A_186 {strides = array<i32>} : memref<256xi32, #tpu.memory_space<vmem>>, vector<16xi32>,
    %shift_right_arithmetic3A_187 = arith.constant 12 : i32
    %shift_right_arithmetic3A_188 = vector.broadcast %shift_right_arithmetic3A_187 : i32 to vector<16xi32>
    %shift_right_arithmetic3A_189 = arith.shrsi %get3A_172, %shift_right_arithmetic3A_188 : vector<16xi32>
    %shift_left3A_190 = arith.constant 10 : i32
    %shift_left3A_191 = vector.broadcast %shift_left3A_190 : i32 to vector<16xi32>
    %shift_left3A_192 = arith.shli %shift_right_arithmetic3A_189, %shift_left3A_191 : vector<16xi32>
    %and3A_193 = arith.constant 1023 : i32
    %and3A_194 = vector.broadcast %and3A_193 : i32 to vector<16xi32>
    %and3A_195 = arith.andi %get3A_172, %and3A_194 : vector<16xi32>
    %or3A_196 = arith.ori %shift_left3A_192, %and3A_195 : vector<16xi32>
    %swap3A_197 = arith.constant 80 : index
    %swap3A_198 = tpu.vector_load %arg11[%swap3A_197] {strides = array<i32>} : memref<256xi32, #tpu.memory_space<vmem>>, vector<16xi32>,
    %swap3A_199 = vector.shape_cast %swap3A_198 : vector<16xi32> to vector<16xi32>
    %swap3A_200 = vector.shape_cast %or3A_196 : vector<16xi32> to vector<16xi32>
    tpu.vector_store %arg11[%swap3A_197], %swap3A_200 {strides = array<i32>} : memref<256xi32, #tpu.memory_space<vmem>>, vector<16xi32>,
    %get3A_201 = arith.constant 96 : index
    %get3A_202 = tpu.vector_load %arg8[%get3A_201] {strides = array<i32>} : memref<512xi32, #tpu.memory_space<vmem>>, vector<16xi32>,
    %get3A_203 = vector.shape_cast %get3A_202 : vector<16xi32> to vector<16xi32>
    %get3A_204 = arith.constant 96 : index
    %get3A_205 = tpu.vector_load %arg9[%get3A_204] {strides = array<i32>} : memref<512xi32, #tpu.memory_space<vmem>>, vector<16xi32>,
    %get3A_206 = vector.shape_cast %get3A_205 : vector<16xi32> to vector<16xi32>
    %shift_right_arithmetic3A_207 = arith.constant 12 : i32
    %shift_right_arithmetic3A_208 = vector.broadcast %shift_right_arithmetic3A_207 : i32 to vector<16xi32>
    %shift_right_arithmetic3A_209 = arith.shrsi %get3A_203, %shift_right_arithmetic3A_208 : vector<16xi32>
    %shift_left3A_210 = arith.constant 10 : i32
    %shift_left3A_211 = vector.broadcast %shift_left3A_210 : i32 to vector<16xi32>
    %shift_left3A_212 = arith.shli %shift_right_arithmetic3A_209, %shift_left3A_211 : vector<16xi32>
    %and3A_213 = arith.constant 1023 : i32
    %and3A_214 = vector.broadcast %and3A_213 : i32 to vector<16xi32>
    %and3A_215 = arith.andi %get3A_203, %and3A_214 : vector<16xi32>
    %or3A_216 = arith.ori %shift_left3A_212, %and3A_215 : vector<16xi32>
    %swap3A_217 = arith.constant 96 : index
    %swap3A_218 = tpu.vector_load %arg10[%swap3A_217] {strides = array<i32>} : memref<256xi32, #tpu.memory_space<vmem>>, vector<16xi32>,
    %swap3A_219 = vector.shape_cast %swap3A_218 : vector<16xi32> to vector<16xi32>
    %swap3A_220 = vector.shape_cast %or3A_216 : vector<16xi32> to vector<16xi32>
    tpu.vector_store %arg10[%swap3A_217], %swap3A_220 {strides = array<i32>} : memref<256xi32, #tpu.memory_space<vmem>>, vector<16xi32>,
    %shift_right_arithmetic3A_221 = arith.constant 12 : i32
    %shift_right_arithmetic3A_222 = vector.broadcast %shift_right_arithmetic3A_221 : i32 to vector<16xi32>
    %shift_right_arithmetic3A_223 = arith.shrsi %get3A_206, %shift_right_arithmetic3A_222 : vector<16xi32>
    %shift_left3A_224 = arith.constant 10 : i32
    %shift_left3A_225 = vector.broadcast %shift_left3A_224 : i32 to vector<16xi32>
    %shift_left3A_226 = arith.shli %shift_right_arithmetic3A_223, %shift_left3A_225 : vector<16xi32>
    %and3A_227 = arith.constant 1023 : i32
    %and3A_228 = vector.broadcast %and3A_227 : i32 to vector<16xi32>
    %and3A_229 = arith.andi %get3A_206, %and3A_228 : vector<16xi32>
    %or3A_230 = arith.ori %shift_left3A_226, %and3A_229 : vector<16xi32>
    %swap3A_231 = arith.constant 96 : index
    %swap3A_232 = tpu.vector_load %arg11[%swap3A_231] {strides = array<i32>} : memref<256xi32, #tpu.memory_space<vmem>>, vector<16xi32>,
    %swap3A_233 = vector.shape_cast %swap3A_232 : vector<16xi32> to vector<16xi32>
    %swap3A_234 = vector.shape_cast %or3A_230 : vector<16xi32> to vector<16xi32>
    tpu.vector_store %arg11[%swap3A_231], %swap3A_234 {strides = array<i32>} : memref<256xi32, #tpu.memory_space<vmem>>, vector<16xi32>,
    %get3A_235 = arith.constant 112 : index
    %get3A_236 = tpu.vector_load %arg8[%get3A_235] {strides = array<i32>} : memref<512xi32, #tpu.memory_space<vmem>>, vector<16xi32>,
    %get3A_237 = vector.shape_cast %get3A_236 : vector<16xi32> to vector<16xi32>
    %get3A_238 = arith.constant 112 : index
    %get3A_239 = tpu.vector_load %arg9[%get3A_238] {strides = array<i32>} : memref<512xi32, #tpu.memory_space<vmem>>, vector<16xi32>,
    %get3A_240 = vector.shape_cast %get3A_239 : vector<16xi32> to vector<16xi32>
    %shift_right_arithmetic3A_241 = arith.constant 12 : i32
    %shift_right_arithmetic3A_242 = vector.broadcast %shift_right_arithmetic3A_241 : i32 to vector<16xi32>
    %shift_right_arithmetic3A_243 = arith.shrsi %get3A_237, %shift_right_arithmetic3A_242 : vector<16xi32>
    %shift_left3A_244 = arith.constant 10 : i32
    %shift_left3A_245 = vector.broadcast %shift_left3A_244 : i32 to vector<16xi32>
    %shift_left3A_246 = arith.shli %shift_right_arithmetic3A_243, %shift_left3A_245 : vector<16xi32>
    %and3A_247 = arith.constant 1023 : i32
    %and3A_248 = vector.broadcast %and3A_247 : i32 to vector<16xi32>
    %and3A_249 = arith.andi %get3A_237, %and3A_248 : vector<16xi32>
    %or3A_250 = arith.ori %shift_left3A_246, %and3A_249 : vector<16xi32>
    %swap3A_251 = arith.constant 112 : index
    %swap3A_252 = tpu.vector_load %arg10[%swap3A_251] {strides = array<i32>} : memref<256xi32, #tpu.memory_space<vmem>>, vector<16xi32>,
    %swap3A_253 = vector.shape_cast %swap3A_252 : vector<16xi32> to vector<16xi32>
    %swap3A_254 = vector.shape_cast %or3A_250 : vector<16xi32> to vector<16xi32>
    tpu.vector_store %arg10[%swap3A_251], %swap3A_254 {strides = array<i32>} : memref<256xi32, #tpu.memory_space<vmem>>, vector<16xi32>,
    %shift_right_arithmetic3A_255 = arith.constant 12 : i32
    %shift_right_arithmetic3A_256 = vector.broadcast %shift_right_arithmetic3A_255 : i32 to vector<16xi32>
    %shift_right_arithmetic3A_257 = arith.shrsi %get3A_240, %shift_right_arithmetic3A_256 : vector<16xi32>
    %shift_left3A_258 = arith.constant 10 : i32
    %shift_left3A_259 = vector.broadcast %shift_left3A_258 : i32 to vector<16xi32>
    %shift_left3A_260 = arith.shli %shift_right_arithmetic3A_257, %shift_left3A_259 : vector<16xi32>
    %and3A_261 = arith.constant 1023 : i32
    %and3A_262 = vector.broadcast %and3A_261 : i32 to vector<16xi32>
    %and3A_263 = arith.andi %get3A_240, %and3A_262 : vector<16xi32>
    %or3A_264 = arith.ori %shift_left3A_260, %and3A_263 : vector<16xi32>
    %swap3A_265 = arith.constant 112 : index
    %swap3A_266 = tpu.vector_load %arg11[%swap3A_265] {strides = array<i32>} : memref<256xi32, #tpu.memory_space<vmem>>, vector<16xi32>,
    %swap3A_267 = vector.shape_cast %swap3A_266 : vector<16xi32> to vector<16xi32>
    %swap3A_268 = vector.shape_cast %or3A_264 : vector<16xi32> to vector<16xi32>
    tpu.vector_store %arg11[%swap3A_265], %swap3A_268 {strides = array<i32>} : memref<256xi32, #tpu.memory_space<vmem>>, vector<16xi32>,
    %get3A_269 = arith.constant 128 : index
    %get3A_270 = tpu.vector_load %arg8[%get3A_269] {strides = array<i32>} : memref<512xi32, #tpu.memory_space<vmem>>, vector<16xi32>,
    %get3A_271 = vector.shape_cast %get3A_270 : vector<16xi32> to vector<16xi32>
    %get3A_272 = arith.constant 128 : index
    %get3A_273 = tpu.vector_load %arg9[%get3A_272] {strides = array<i32>} : memref<512xi32, #tpu.memory_space<vmem>>, vector<16xi32>,
    %get3A_274 = vector.shape_cast %get3A_273 : vector<16xi32> to vector<16xi32>
    %shift_right_arithmetic3A_275 = arith.constant 12 : i32
    %shift_right_arithmetic3A_276 = vector.broadcast %shift_right_arithmetic3A_275 : i32 to vector<16xi32>
    %shift_right_arithmetic3A_277 = arith.shrsi %get3A_271, %shift_right_arithmetic3A_276 : vector<16xi32>
    %shift_left3A_278 = arith.constant 10 : i32
    %shift_left3A_279 = vector.broadcast %shift_left3A_278 : i32 to vector<16xi32>
    %shift_left3A_280 = arith.shli %shift_right_arithmetic3A_277, %shift_left3A_279 : vector<16xi32>
    %and3A_281 = arith.constant 1023 : i32
    %and3A_282 = vector.broadcast %and3A_281 : i32 to vector<16xi32>
    %and3A_283 = arith.andi %get3A_271, %and3A_282 : vector<16xi32>
    %or3A_284 = arith.ori %shift_left3A_280, %and3A_283 : vector<16xi32>
    %swap3A_285 = arith.constant 128 : index
    %swap3A_286 = tpu.vector_load %arg10[%swap3A_285] {strides = array<i32>} : memref<256xi32, #tpu.memory_space<vmem>>, vector<16xi32>,
    %swap3A_287 = vector.shape_cast %swap3A_286 : vector<16xi32> to vector<16xi32>
    %swap3A_288 = vector.shape_cast %or3A_284 : vector<16xi32> to vector<16xi32>
    tpu.vector_store %arg10[%swap3A_285], %swap3A_288 {strides = array<i32>} : memref<256xi32, #tpu.memory_space<vmem>>, vector<16xi32>,
    %shift_right_arithmetic3A_289 = arith.constant 12 : i32
    %shift_right_arithmetic3A_290 = vector.broadcast %shift_right_arithmetic3A_289 : i32 to vector<16xi32>
    %shift_right_arithmetic3A_291 = arith.shrsi %get3A_274, %shift_right_arithmetic3A_290 : vector<16xi32>
    %shift_left3A_292 = arith.constant 10 : i32
    %shift_left3A_293 = vector.broadcast %shift_left3A_292 : i32 to vector<16xi32>
    %shift_left3A_294 = arith.shli %shift_right_arithmetic3A_291, %shift_left3A_293 : vector<16xi32>
    %and3A_295 = arith.constant 1023 : i32
    %and3A_296 = vector.broadcast %and3A_295 : i32 to vector<16xi32>
    %and3A_297 = arith.andi %get3A_274, %and3A_296 : vector<16xi32>
    %or3A_298 = arith.ori %shift_left3A_294, %and3A_297 : vector<16xi32>
    %swap3A_299 = arith.constant 128 : index
    %swap3A_300 = tpu.vector_load %arg11[%swap3A_299] {strides = array<i32>} : memref<256xi32, #tpu.memory_space<vmem>>, vector<16xi32>,
    %swap3A_301 = vector.shape_cast %swap3A_300 : vector<16xi32> to vector<16xi32>
    %swap3A_302 = vector.shape_cast %or3A_298 : vector<16xi32> to vector<16xi32>
    tpu.vector_store %arg11[%swap3A_299], %swap3A_302 {strides = array<i32>} : memref<256xi32, #tpu.memory_space<vmem>>, vector<16xi32>,
    %get3A_303 = arith.constant 144 : index
    %get3A_304 = tpu.vector_load %arg8[%get3A_303] {strides = array<i32>} : memref<512xi32, #tpu.memory_space<vmem>>, vector<16xi32>,
    %get3A_305 = vector.shape_cast %get3A_304 : vector<16xi32> to vector<16xi32>
    %get3A_306 = arith.constant 144 : index
    %get3A_307 = tpu.vector_load %arg9[%get3A_306] {strides = array<i32>} : memref<512xi32, #tpu.memory_space<vmem>>, vector<16xi32>,
    %get3A_308 = vector.shape_cast %get3A_307 : vector<16xi32> to vector<16xi32>
    %shift_right_arithmetic3A_309 = arith.constant 12 : i32
    %shift_right_arithmetic3A_310 = vector.broadcast %shift_right_arithmetic3A_309 : i32 to vector<16xi32>
    %shift_right_arithmetic3A_311 = arith.shrsi %get3A_305, %shift_right_arithmetic3A_310 : vector<16xi32>
    %shift_left3A_312 = arith.constant 10 : i32
    %shift_left3A_313 = vector.broadcast %shift_left3A_312 : i32 to vector<16xi32>
    %shift_left3A_314 = arith.shli %shift_right_arithmetic3A_311, %shift_left3A_313 : vector<16xi32>
    %and3A_315 = arith.constant 1023 : i32
    %and3A_316 = vector.broadcast %and3A_315 : i32 to vector<16xi32>
    %and3A_317 = arith.andi %get3A_305, %and3A_316 : vector<16xi32>
    %or3A_318 = arith.ori %shift_left3A_314, %and3A_317 : vector<16xi32>
    %swap3A_319 = arith.constant 144 : index
    %swap3A_320 = tpu.vector_load %arg10[%swap3A_319] {strides = array<i32>} : memref<256xi32, #tpu.memory_space<vmem>>, vector<16xi32>,
    %swap3A_321 = vector.shape_cast %swap3A_320 : vector<16xi32> to vector<16xi32>
    %swap3A_322 = vector.shape_cast %or3A_318 : vector<16xi32> to vector<16xi32>
    tpu.vector_store %arg10[%swap3A_319], %swap3A_322 {strides = array<i32>} : memref<256xi32, #tpu.memory_space<vmem>>, vector<16xi32>,
    %shift_right_arithmetic3A_323 = arith.constant 12 : i32
    %shift_right_arithmetic3A_324 = vector.broadcast %shift_right_arithmetic3A_323 : i32 to vector<16xi32>
    %shift_right_arithmetic3A_325 = arith.shrsi %get3A_308, %shift_right_arithmetic3A_324 : vector<16xi32>
    %shift_left3A_326 = arith.constant 10 : i32
    %shift_left3A_327 = vector.broadcast %shift_left3A_326 : i32 to vector<16xi32>
    %shift_left3A_328 = arith.shli %shift_right_arithmetic3A_325, %shift_left3A_327 : vector<16xi32>
    %and3A_329 = arith.constant 1023 : i32
    %and3A_330 = vector.broadcast %and3A_329 : i32 to vector<16xi32>
    %and3A_331 = arith.andi %get3A_308, %and3A_330 : vector<16xi32>
    %or3A_332 = arith.ori %shift_left3A_328, %and3A_331 : vector<16xi32>
    %swap3A_333 = arith.constant 144 : index
    %swap3A_334 = tpu.vector_load %arg11[%swap3A_333] {strides = array<i32>} : memref<256xi32, #tpu.memory_space<vmem>>, vector<16xi32>,
    %swap3A_335 = vector.shape_cast %swap3A_334 : vector<16xi32> to vector<16xi32>
    %swap3A_336 = vector.shape_cast %or3A_332 : vector<16xi32> to vector<16xi32>
    tpu.vector_store %arg11[%swap3A_333], %swap3A_336 {strides = array<i32>} : memref<256xi32, #tpu.memory_space<vmem>>, vector<16xi32>,
    %get3A_337 = arith.constant 160 : index
    %get3A_338 = tpu.vector_load %arg8[%get3A_337] {strides = array<i32>} : memref<512xi32, #tpu.memory_space<vmem>>, vector<16xi32>,
    %get3A_339 = vector.shape_cast %get3A_338 : vector<16xi32> to vector<16xi32>
    %get3A_340 = arith.constant 160 : index
    %get3A_341 = tpu.vector_load %arg9[%get3A_340] {strides = array<i32>} : memref<512xi32, #tpu.memory_space<vmem>>, vector<16xi32>,
    %get3A_342 = vector.shape_cast %get3A_341 : vector<16xi32> to vector<16xi32>
    %shift_right_arithmetic3A_343 = arith.constant 12 : i32
    %shift_right_arithmetic3A_344 = vector.broadcast %shift_right_arithmetic3A_343 : i32 to vector<16xi32>
    %shift_right_arithmetic3A_345 = arith.shrsi %get3A_339, %shift_right_arithmetic3A_344 : vector<16xi32>
    %shift_left3A_346 = arith.constant 10 : i32
    %shift_left3A_347 = vector.broadcast %shift_left3A_346 : i32 to vector<16xi32>
    %shift_left3A_348 = arith.shli %shift_right_arithmetic3A_345, %shift_left3A_347 : vector<16xi32>
    %and3A_349 = arith.constant 1023 : i32
    %and3A_350 = vector.broadcast %and3A_349 : i32 to vector<16xi32>
    %and3A_351 = arith.andi %get3A_339, %and3A_350 : vector<16xi32>
    %or3A_352 = arith.ori %shift_left3A_348, %and3A_351 : vector<16xi32>
    %swap3A_353 = arith.constant 160 : index
    %swap3A_354 = tpu.vector_load %arg10[%swap3A_353] {strides = array<i32>} : memref<256xi32, #tpu.memory_space<vmem>>, vector<16xi32>,
    %swap3A_355 = vector.shape_cast %swap3A_354 : vector<16xi32> to vector<16xi32>
    %swap3A_356 = vector.shape_cast %or3A_352 : vector<16xi32> to vector<16xi32>
    tpu.vector_store %arg10[%swap3A_353], %swap3A_356 {strides = array<i32>} : memref<256xi32, #tpu.memory_space<vmem>>, vector<16xi32>,
    %shift_right_arithmetic3A_357 = arith.constant 12 : i32
    %shift_right_arithmetic3A_358 = vector.broadcast %shift_right_arithmetic3A_357 : i32 to vector<16xi32>
    %shift_right_arithmetic3A_359 = arith.shrsi %get3A_342, %shift_right_arithmetic3A_358 : vector<16xi32>
    %shift_left3A_360 = arith.constant 10 : i32
    %shift_left3A_361 = vector.broadcast %shift_left3A_360 : i32 to vector<16xi32>
    %shift_left3A_362 = arith.shli %shift_right_arithmetic3A_359, %shift_left3A_361 : vector<16xi32>
    %and3A_363 = arith.constant 1023 : i32
    %and3A_364 = vector.broadcast %and3A_363 : i32 to vector<16xi32>
    %and3A_365 = arith.andi %get3A_342, %and3A_364 : vector<16xi32>
    %or3A_366 = arith.ori %shift_left3A_362, %and3A_365 : vector<16xi32>
    %swap3A_367 = arith.constant 160 : index
    %swap3A_368 = tpu.vector_load %arg11[%swap3A_367] {strides = array<i32>} : memref<256xi32, #tpu.memory_space<vmem>>, vector<16xi32>,
    %swap3A_369 = vector.shape_cast %swap3A_368 : vector<16xi32> to vector<16xi32>
    %swap3A_370 = vector.shape_cast %or3A_366 : vector<16xi32> to vector<16xi32>
    tpu.vector_store %arg11[%swap3A_367], %swap3A_370 {strides = array<i32>} : memref<256xi32, #tpu.memory_space<vmem>>, vector<16xi32>,
    %get3A_371 = arith.constant 176 : index
    %get3A_372 = tpu.vector_load %arg8[%get3A_371] {strides = array<i32>} : memref<512xi32, #tpu.memory_space<vmem>>, vector<16xi32>,
    %get3A_373 = vector.shape_cast %get3A_372 : vector<16xi32> to vector<16xi32>
    %get3A_374 = arith.constant 176 : index
    %get3A_375 = tpu.vector_load %arg9[%get3A_374] {strides = array<i32>} : memref<512xi32, #tpu.memory_space<vmem>>, vector<16xi32>,
    %get3A_376 = vector.shape_cast %get3A_375 : vector<16xi32> to vector<16xi32>
    %shift_right_arithmetic3A_377 = arith.constant 12 : i32
    %shift_right_arithmetic3A_378 = vector.broadcast %shift_right_arithmetic3A_377 : i32 to vector<16xi32>
    %shift_right_arithmetic3A_379 = arith.shrsi %get3A_373, %shift_right_arithmetic3A_378 : vector<16xi32>
    %shift_left3A_380 = arith.constant 10 : i32
    %shift_left3A_381 = vector.broadcast %shift_left3A_380 : i32 to vector<16xi32>
    %shift_left3A_382 = arith.shli %shift_right_arithmetic3A_379, %shift_left3A_381 : vector<16xi32>
    %and3A_383 = arith.constant 1023 : i32
    %and3A_384 = vector.broadcast %and3A_383 : i32 to vector<16xi32>
    %and3A_385 = arith.andi %get3A_373, %and3A_384 : vector<16xi32>
    %or3A_386 = arith.ori %shift_left3A_382, %and3A_385 : vector<16xi32>
    %swap3A_387 = arith.constant 176 : index
    %swap3A_388 = tpu.vector_load %arg10[%swap3A_387] {strides = array<i32>} : memref<256xi32, #tpu.memory_space<vmem>>, vector<16xi32>,
    %swap3A_389 = vector.shape_cast %swap3A_388 : vector<16xi32> to vector<16xi32>
    %swap3A_390 = vector.shape_cast %or3A_386 : vector<16xi32> to vector<16xi32>
    tpu.vector_store %arg10[%swap3A_387], %swap3A_390 {strides = array<i32>} : memref<256xi32, #tpu.memory_space<vmem>>, vector<16xi32>,
    %shift_right_arithmetic3A_391 = arith.constant 12 : i32
    %shift_right_arithmetic3A_392 = vector.broadcast %shift_right_arithmetic3A_391 : i32 to vector<16xi32>
    %shift_right_arithmetic3A_393 = arith.shrsi %get3A_376, %shift_right_arithmetic3A_392 : vector<16xi32>
    %shift_left3A_394 = arith.constant 10 : i32
    %shift_left3A_395 = vector.broadcast %shift_left3A_394 : i32 to vector<16xi32>
    %shift_left3A_396 = arith.shli %shift_right_arithmetic3A_393, %shift_left3A_395 : vector<16xi32>
    %and3A_397 = arith.constant 1023 : i32
    %and3A_398 = vector.broadcast %and3A_397 : i32 to vector<16xi32>
    %and3A_399 = arith.andi %get3A_376, %and3A_398 : vector<16xi32>
    %or3A_400 = arith.ori %shift_left3A_396, %and3A_399 : vector<16xi32>
    %swap3A_401 = arith.constant 176 : index
    %swap3A_402 = tpu.vector_load %arg11[%swap3A_401] {strides = array<i32>} : memref<256xi32, #tpu.memory_space<vmem>>, vector<16xi32>,
    %swap3A_403 = vector.shape_cast %swap3A_402 : vector<16xi32> to vector<16xi32>
    %swap3A_404 = vector.shape_cast %or3A_400 : vector<16xi32> to vector<16xi32>
    tpu.vector_store %arg11[%swap3A_401], %swap3A_404 {strides = array<i32>} : memref<256xi32, #tpu.memory_space<vmem>>, vector<16xi32>,
    %get3A_405 = arith.constant 192 : index
    %get3A_406 = tpu.vector_load %arg8[%get3A_405] {strides = array<i32>} : memref<512xi32, #tpu.memory_space<vmem>>, vector<16xi32>,
    %get3A_407 = vector.shape_cast %get3A_406 : vector<16xi32> to vector<16xi32>
    %get3A_408 = arith.constant 192 : index
    %get3A_409 = tpu.vector_load %arg9[%get3A_408] {strides = array<i32>} : memref<512xi32, #tpu.memory_space<vmem>>, vector<16xi32>,
    %get3A_410 = vector.shape_cast %get3A_409 : vector<16xi32> to vector<16xi32>
    %shift_right_arithmetic3A_411 = arith.constant 12 : i32
    %shift_right_arithmetic3A_412 = vector.broadcast %shift_right_arithmetic3A_411 : i32 to vector<16xi32>
    %shift_right_arithmetic3A_413 = arith.shrsi %get3A_407, %shift_right_arithmetic3A_412 : vector<16xi32>
    %shift_left3A_414 = arith.constant 10 : i32
    %shift_left3A_415 = vector.broadcast %shift_left3A_414 : i32 to vector<16xi32>
    %shift_left3A_416 = arith.shli %shift_right_arithmetic3A_413, %shift_left3A_415 : vector<16xi32>
    %and3A_417 = arith.constant 1023 : i32
    %and3A_418 = vector.broadcast %and3A_417 : i32 to vector<16xi32>
    %and3A_419 = arith.andi %get3A_407, %and3A_418 : vector<16xi32>
    %or3A_420 = arith.ori %shift_left3A_416, %and3A_419 : vector<16xi32>
    %swap3A_421 = arith.constant 192 : index
    %swap3A_422 = tpu.vector_load %arg10[%swap3A_421] {strides = array<i32>} : memref<256xi32, #tpu.memory_space<vmem>>, vector<16xi32>,
    %swap3A_423 = vector.shape_cast %swap3A_422 : vector<16xi32> to vector<16xi32>
    %swap3A_424 = vector.shape_cast %or3A_420 : vector<16xi32> to vector<16xi32>
    tpu.vector_store %arg10[%swap3A_421], %swap3A_424 {strides = array<i32>} : memref<256xi32, #tpu.memory_space<vmem>>, vector<16xi32>,
    %shift_right_arithmetic3A_425 = arith.constant 12 : i32
    %shift_right_arithmetic3A_426 = vector.broadcast %shift_right_arithmetic3A_425 : i32 to vector<16xi32>
    %shift_right_arithmetic3A_427 = arith.shrsi %get3A_410, %shift_right_arithmetic3A_426 : vector<16xi32>
    %shift_left3A_428 = arith.constant 10 : i32
    %shift_left3A_429 = vector.broadcast %shift_left3A_428 : i32 to vector<16xi32>
    %shift_left3A_430 = arith.shli %shift_right_arithmetic3A_427, %shift_left3A_429 : vector<16xi32>
    %and3A_431 = arith.constant 1023 : i32
    %and3A_432 = vector.broadcast %and3A_431 : i32 to vector<16xi32>
    %and3A_433 = arith.andi %get3A_410, %and3A_432 : vector<16xi32>
    %or3A_434 = arith.ori %shift_left3A_430, %and3A_433 : vector<16xi32>
    %swap3A_435 = arith.constant 192 : index
    %swap3A_436 = tpu.vector_load %arg11[%swap3A_435] {strides = array<i32>} : memref<256xi32, #tpu.memory_space<vmem>>, vector<16xi32>,
    %swap3A_437 = vector.shape_cast %swap3A_436 : vector<16xi32> to vector<16xi32>
    %swap3A_438 = vector.shape_cast %or3A_434 : vector<16xi32> to vector<16xi32>
    tpu.vector_store %arg11[%swap3A_435], %swap3A_438 {strides = array<i32>} : memref<256xi32, #tpu.memory_space<vmem>>, vector<16xi32>,
    %get3A_439 = arith.constant 208 : index
    %get3A_440 = tpu.vector_load %arg8[%get3A_439] {strides = array<i32>} : memref<512xi32, #tpu.memory_space<vmem>>, vector<16xi32>,
    %get3A_441 = vector.shape_cast %get3A_440 : vector<16xi32> to vector<16xi32>
    %get3A_442 = arith.constant 208 : index
    %get3A_443 = tpu.vector_load %arg9[%get3A_442] {strides = array<i32>} : memref<512xi32, #tpu.memory_space<vmem>>, vector<16xi32>,
    %get3A_444 = vector.shape_cast %get3A_443 : vector<16xi32> to vector<16xi32>
    %shift_right_arithmetic3A_445 = arith.constant 12 : i32
    %shift_right_arithmetic3A_446 = vector.broadcast %shift_right_arithmetic3A_445 : i32 to vector<16xi32>
    %shift_right_arithmetic3A_447 = arith.shrsi %get3A_441, %shift_right_arithmetic3A_446 : vector<16xi32>
    %shift_left3A_448 = arith.constant 10 : i32
    %shift_left3A_449 = vector.broadcast %shift_left3A_448 : i32 to vector<16xi32>
    %shift_left3A_450 = arith.shli %shift_right_arithmetic3A_447, %shift_left3A_449 : vector<16xi32>
    %and3A_451 = arith.constant 1023 : i32
    %and3A_452 = vector.broadcast %and3A_451 : i32 to vector<16xi32>
    %and3A_453 = arith.andi %get3A_441, %and3A_452 : vector<16xi32>
    %or3A_454 = arith.ori %shift_left3A_450, %and3A_453 : vector<16xi32>
    %swap3A_455 = arith.constant 208 : index
    %swap3A_456 = tpu.vector_load %arg10[%swap3A_455] {strides = array<i32>} : memref<256xi32, #tpu.memory_space<vmem>>, vector<16xi32>,
    %swap3A_457 = vector.shape_cast %swap3A_456 : vector<16xi32> to vector<16xi32>
    %swap3A_458 = vector.shape_cast %or3A_454 : vector<16xi32> to vector<16xi32>
    tpu.vector_store %arg10[%swap3A_455], %swap3A_458 {strides = array<i32>} : memref<256xi32, #tpu.memory_space<vmem>>, vector<16xi32>,
    %shift_right_arithmetic3A_459 = arith.constant 12 : i32
    %shift_right_arithmetic3A_460 = vector.broadcast %shift_right_arithmetic3A_459 : i32 to vector<16xi32>
    %shift_right_arithmetic3A_461 = arith.shrsi %get3A_444, %shift_right_arithmetic3A_460 : vector<16xi32>
    %shift_left3A_462 = arith.constant 10 : i32
    %shift_left3A_463 = vector.broadcast %shift_left3A_462 : i32 to vector<16xi32>
    %shift_left3A_464 = arith.shli %shift_right_arithmetic3A_461, %shift_left3A_463 : vector<16xi32>
    %and3A_465 = arith.constant 1023 : i32
    %and3A_466 = vector.broadcast %and3A_465 : i32 to vector<16xi32>
    %and3A_467 = arith.andi %get3A_444, %and3A_466 : vector<16xi32>
    %or3A_468 = arith.ori %shift_left3A_464, %and3A_467 : vector<16xi32>
    %swap3A_469 = arith.constant 208 : index
    %swap3A_470 = tpu.vector_load %arg11[%swap3A_469] {strides = array<i32>} : memref<256xi32, #tpu.memory_space<vmem>>, vector<16xi32>,
    %swap3A_471 = vector.shape_cast %swap3A_470 : vector<16xi32> to vector<16xi32>
    %swap3A_472 = vector.shape_cast %or3A_468 : vector<16xi32> to vector<16xi32>
    tpu.vector_store %arg11[%swap3A_469], %swap3A_472 {strides = array<i32>} : memref<256xi32, #tpu.memory_space<vmem>>, vector<16xi32>,
    %get3A_473 = arith.constant 224 : index
    %get3A_474 = tpu.vector_load %arg8[%get3A_473] {strides = array<i32>} : memref<512xi32, #tpu.memory_space<vmem>>, vector<16xi32>,
    %get3A_475 = vector.shape_cast %get3A_474 : vector<16xi32> to vector<16xi32>
    %get3A_476 = arith.constant 224 : index
    %get3A_477 = tpu.vector_load %arg9[%get3A_476] {strides = array<i32>} : memref<512xi32, #tpu.memory_space<vmem>>, vector<16xi32>,
    %get3A_478 = vector.shape_cast %get3A_477 : vector<16xi32> to vector<16xi32>
    %shift_right_arithmetic3A_479 = arith.constant 12 : i32
    %shift_right_arithmetic3A_480 = vector.broadcast %shift_right_arithmetic3A_479 : i32 to vector<16xi32>
    %shift_right_arithmetic3A_481 = arith.shrsi %get3A_475, %shift_right_arithmetic3A_480 : vector<16xi32>
    %shift_left3A_482 = arith.constant 10 : i32
    %shift_left3A_483 = vector.broadcast %shift_left3A_482 : i32 to vector<16xi32>
    %shift_left3A_484 = arith.shli %shift_right_arithmetic3A_481, %shift_left3A_483 : vector<16xi32>
    %and3A_485 = arith.constant 1023 : i32
    %and3A_486 = vector.broadcast %and3A_485 : i32 to vector<16xi32>
    %and3A_487 = arith.andi %get3A_475, %and3A_486 : vector<16xi32>
    %or3A_488 = arith.ori %shift_left3A_484, %and3A_487 : vector<16xi32>
    %swap3A_489 = arith.constant 224 : index
    %swap3A_490 = tpu.vector_load %arg10[%swap3A_489] {strides = array<i32>} : memref<256xi32, #tpu.memory_space<vmem>>, vector<16xi32>,
    %swap3A_491 = vector.shape_cast %swap3A_490 : vector<16xi32> to vector<16xi32>
    %swap3A_492 = vector.shape_cast %or3A_488 : vector<16xi32> to vector<16xi32>
    tpu.vector_store %arg10[%swap3A_489], %swap3A_492 {strides = array<i32>} : memref<256xi32, #tpu.memory_space<vmem>>, vector<16xi32>,
    %shift_right_arithmetic3A_493 = arith.constant 12 : i32
    %shift_right_arithmetic3A_494 = vector.broadcast %shift_right_arithmetic3A_493 : i32 to vector<16xi32>
    %shift_right_arithmetic3A_495 = arith.shrsi %get3A_478, %shift_right_arithmetic3A_494 : vector<16xi32>
    %shift_left3A_496 = arith.constant 10 : i32
    %shift_left3A_497 = vector.broadcast %shift_left3A_496 : i32 to vector<16xi32>
    %shift_left3A_498 = arith.shli %shift_right_arithmetic3A_495, %shift_left3A_497 : vector<16xi32>
    %and3A_499 = arith.constant 1023 : i32
    %and3A_500 = vector.broadcast %and3A_499 : i32 to vector<16xi32>
    %and3A_501 = arith.andi %get3A_478, %and3A_500 : vector<16xi32>
    %or3A_502 = arith.ori %shift_left3A_498, %and3A_501 : vector<16xi32>
    %swap3A_503 = arith.constant 224 : index
    %swap3A_504 = tpu.vector_load %arg11[%swap3A_503] {strides = array<i32>} : memref<256xi32, #tpu.memory_space<vmem>>, vector<16xi32>,
    %swap3A_505 = vector.shape_cast %swap3A_504 : vector<16xi32> to vector<16xi32>
    %swap3A_506 = vector.shape_cast %or3A_502 : vector<16xi32> to vector<16xi32>
    tpu.vector_store %arg11[%swap3A_503], %swap3A_506 {strides = array<i32>} : memref<256xi32, #tpu.memory_space<vmem>>, vector<16xi32>,
    %get3A_507 = arith.constant 240 : index
    %get3A_508 = tpu.vector_load %arg8[%get3A_507] {strides = array<i32>} : memref<512xi32, #tpu.memory_space<vmem>>, vector<16xi32>,
    %get3A_509 = vector.shape_cast %get3A_508 : vector<16xi32> to vector<16xi32>
    %get3A_510 = arith.constant 240 : index
    %get3A_511 = tpu.vector_load %arg9[%get3A_510] {strides = array<i32>} : memref<512xi32, #tpu.memory_space<vmem>>, vector<16xi32>,
    %get3A_512 = vector.shape_cast %get3A_511 : vector<16xi32> to vector<16xi32>
    %shift_right_arithmetic3A_513 = arith.constant 12 : i32
    %shift_right_arithmetic3A_514 = vector.broadcast %shift_right_arithmetic3A_513 : i32 to vector<16xi32>
    %shift_right_arithmetic3A_515 = arith.shrsi %get3A_509, %shift_right_arithmetic3A_514 : vector<16xi32>
    %shift_left3A_516 = arith.constant 10 : i32
    %shift_left3A_517 = vector.broadcast %shift_left3A_516 : i32 to vector<16xi32>
    %shift_left3A_518 = arith.shli %shift_right_arithmetic3A_515, %shift_left3A_517 : vector<16xi32>
    %and3A_519 = arith.constant 1023 : i32
    %and3A_520 = vector.broadcast %and3A_519 : i32 to vector<16xi32>
    %and3A_521 = arith.andi %get3A_509, %and3A_520 : vector<16xi32>
    %or3A_522 = arith.ori %shift_left3A_518, %and3A_521 : vector<16xi32>
    %swap3A_523 = arith.constant 240 : index
    %swap3A_524 = tpu.vector_load %arg10[%swap3A_523] {strides = array<i32>} : memref<256xi32, #tpu.memory_space<vmem>>, vector<16xi32>,
    %swap3A_525 = vector.shape_cast %swap3A_524 : vector<16xi32> to vector<16xi32>
    %swap3A_526 = vector.shape_cast %or3A_522 : vector<16xi32> to vector<16xi32>
    tpu.vector_store %arg10[%swap3A_523], %swap3A_526 {strides = array<i32>} : memref<256xi32, #tpu.memory_space<vmem>>, vector<16xi32>,
    %shift_right_arithmetic3A_527 = arith.constant 12 : i32
    %shift_right_arithmetic3A_528 = vector.broadcast %shift_right_arithmetic3A_527 : i32 to vector<16xi32>
    %shift_right_arithmetic3A_529 = arith.shrsi %get3A_512, %shift_right_arithmetic3A_528 : vector<16xi32>
    %shift_left3A_530 = arith.constant 10 : i32
    %shift_left3A_531 = vector.broadcast %shift_left3A_530 : i32 to vector<16xi32>
    %shift_left3A_532 = arith.shli %shift_right_arithmetic3A_529, %shift_left3A_531 : vector<16xi32>
    %and3A_533 = arith.constant 1023 : i32
    %and3A_534 = vector.broadcast %and3A_533 : i32 to vector<16xi32>
    %and3A_535 = arith.andi %get3A_512, %and3A_534 : vector<16xi32>
    %or3A_536 = arith.ori %shift_left3A_532, %and3A_535 : vector<16xi32>
    %swap3A_537 = arith.constant 240 : index
    %swap3A_538 = tpu.vector_load %arg11[%swap3A_537] {strides = array<i32>} : memref<256xi32, #tpu.memory_space<vmem>>, vector<16xi32>,
    %swap3A_539 = vector.shape_cast %swap3A_538 : vector<16xi32> to vector<16xi32>
    %swap3A_540 = vector.shape_cast %or3A_536 : vector<16xi32> to vector<16xi32>
    tpu.vector_store %arg11[%swap3A_537], %swap3A_540 {strides = array<i32>} : memref<256xi32, #tpu.memory_space<vmem>>, vector<16xi32>,
    %dma_start3A = arith.constant 0 : i32
    %dma_start3A_541 = arith.constant 0 : i32
    %dma_start3A_542 = tpu.memref_slice %arg4[%dma_start3A, %dma_start3A_541] : memref<250880x128xi32, #tpu.memory_space<hbm>> -> memref<250880x128xi32, #tpu.memory_space<hbm>>
    tpu.enqueue_indirect_dma source(%dma_start3A_542 : memref<250880x128xi32, #tpu.memory_space<hbm>>) target(%arg12 : memref<256x128xi32, #tpu.memory_space<vmem>>) offsets(%arg10 : memref<256xi32, #tpu.memory_space<vmem>>) semaphore(%arg14 : memref<!tpu.dma_semaphore, #tpu.memory_space<semaphore_mem>>)
    %dma_start3A_543 = arith.constant 0 : i32
    %dma_start3A_544 = arith.constant 0 : i32
    %dma_start3A_545 = tpu.memref_slice %arg5[%dma_start3A_543, %dma_start3A_544] : memref<250880x128xi32, #tpu.memory_space<hbm>> -> memref<250880x128xi32, #tpu.memory_space<hbm>>
    tpu.enqueue_indirect_dma source(%dma_start3A_545 : memref<250880x128xi32, #tpu.memory_space<hbm>>) target(%arg13 : memref<256x128xi32, #tpu.memory_space<vmem>>) offsets(%arg11 : memref<256xi32, #tpu.memory_space<vmem>>) semaphore(%arg15 : memref<!tpu.dma_semaphore, #tpu.memory_space<semaphore_mem>>)
    %dma_wait3A = arith.constant 0 : i32
    %dma_wait3A_546 = arith.constant 0 : i32
    %dma_wait3A_547 = tpu.memref_slice %arg4[%dma_wait3A, %dma_wait3A_546] : memref<250880x128xi32, #tpu.memory_space<hbm>> -> memref<250880x128xi32, #tpu.memory_space<hbm>>
    tpu.wait_indirect_dma semaphore(%arg14 : memref<!tpu.dma_semaphore, #tpu.memory_space<semaphore_mem>>) src(%dma_wait3A_547 : memref<250880x128xi32, #tpu.memory_space<hbm>>) dst(%arg12 : memref<256x128xi32, #tpu.memory_space<vmem>>)
    %dma_wait3A_548 = arith.constant 0 : i32
    %dma_wait3A_549 = arith.constant 0 : i32
    %dma_wait3A_550 = tpu.memref_slice %arg5[%dma_wait3A_548, %dma_wait3A_549] : memref<250880x128xi32, #tpu.memory_space<hbm>> -> memref<250880x128xi32, #tpu.memory_space<hbm>>
    tpu.wait_indirect_dma semaphore(%arg15 : memref<!tpu.dma_semaphore, #tpu.memory_space<semaphore_mem>>) src(%dma_wait3A_550 : memref<250880x128xi32, #tpu.memory_space<hbm>>) dst(%arg13 : memref<256x128xi32, #tpu.memory_space<vmem>>)
    %add3A_551 = arith.constant 0 : i32
    %add3A_552 = arith.addi %mul3A_2, %add3A_551 : i32
    "tpu.region"() ({
      %run_scoped3A = tpu.sem_alloc : memref<!tpu.dma_semaphore, #tpu.memory_space<semaphore_mem>>
      %dma_start3A_1115 = arith.constant 0 : i32
      %dma_start3A_1116 = tpu.memref_slice %arg6[%add3A_552, %dma_start3A_1115] : memref<16384x128xi32, #tpu.memory_space<hbm>> -> memref<256x128xi32, #tpu.memory_space<hbm>>
      %dma_start3A_1117 = arith.constant 0 : i32
      %dma_start3A_1118 = tpu.memref_slice %arg6[%add3A_552, %dma_start3A_1117] : memref<16384x128xi32, #tpu.memory_space<hbm>> -> memref<256x128xi32, #tpu.memory_space<hbm>>
      tpu.enqueue_dma source(%arg12 : memref<256x128xi32, #tpu.memory_space<vmem>>) target(%dma_start3A_1118 : memref<256x128xi32, #tpu.memory_space<hbm>>) target_semaphore(%run_scoped3A : memref<!tpu.dma_semaphore, #tpu.memory_space<semaphore_mem>>)
      %dma_wait3A_1119 = arith.constant 0 : i32
      %dma_wait3A_1120 = tpu.memref_slice %arg6[%add3A_552, %dma_wait3A_1119] : memref<16384x128xi32, #tpu.memory_space<hbm>> -> memref<256x128xi32, #tpu.memory_space<hbm>>
      %dma_wait3A_1121 = arith.constant 0 : i32
      %dma_wait3A_1122 = tpu.memref_slice %arg6[%add3A_552, %dma_wait3A_1121] : memref<16384x128xi32, #tpu.memory_space<hbm>> -> memref<256x128xi32, #tpu.memory_space<hbm>>
      tpu.wait_dma2 semaphore(%run_scoped3A : memref<!tpu.dma_semaphore, #tpu.memory_space<semaphore_mem>>) src(%arg12 : memref<256x128xi32, #tpu.memory_space<vmem>>) dst(%dma_wait3A_1122 : memref<256x128xi32, #tpu.memory_space<hbm>>)
      tpu.yield
    }) : () -> ()
    %add3A_553 = arith.constant 0 : i32
    %add3A_554 = arith.addi %mul3A_2, %add3A_553 : i32
    "tpu.region"() ({
      %run_scoped3A = tpu.sem_alloc : memref<!tpu.dma_semaphore, #tpu.memory_space<semaphore_mem>>
      %dma_start3A_1115 = arith.constant 0 : i32
      %dma_start3A_1116 = tpu.memref_slice %arg7[%add3A_554, %dma_start3A_1115] : memref<16384x128xi32, #tpu.memory_space<hbm>> -> memref<256x128xi32, #tpu.memory_space<hbm>>
      %dma_start3A_1117 = arith.constant 0 : i32
      %dma_start3A_1118 = tpu.memref_slice %arg7[%add3A_554, %dma_start3A_1117] : memref<16384x128xi32, #tpu.memory_space<hbm>> -> memref<256x128xi32, #tpu.memory_space<hbm>>
      tpu.enqueue_dma source(%arg13 : memref<256x128xi32, #tpu.memory_space<vmem>>) target(%dma_start3A_1118 : memref<256x128xi32, #tpu.memory_space<hbm>>) target_semaphore(%run_scoped3A : memref<!tpu.dma_semaphore, #tpu.memory_space<semaphore_mem>>)
      %dma_wait3A_1119 = arith.constant 0 : i32
      %dma_wait3A_1120 = tpu.memref_slice %arg7[%add3A_554, %dma_wait3A_1119] : memref<16384x128xi32, #tpu.memory_space<hbm>> -> memref<256x128xi32, #tpu.memory_space<hbm>>
      %dma_wait3A_1121 = arith.constant 0 : i32
      %dma_wait3A_1122 = tpu.memref_slice %arg7[%add3A_554, %dma_wait3A_1121] : memref<16384x128xi32, #tpu.memory_space<hbm>> -> memref<256x128xi32, #tpu.memory_space<hbm>>
      tpu.wait_dma2 semaphore(%run_scoped3A : memref<!tpu.dma_semaphore, #tpu.memory_space<semaphore_mem>>) src(%arg13 : memref<256x128xi32, #tpu.memory_space<vmem>>) dst(%dma_wait3A_1122 : memref<256x128xi32, #tpu.memory_space<hbm>>)
      tpu.yield
    }) : () -> ()
    %get3A_555 = arith.constant 256 : index
    %get3A_556 = tpu.vector_load %arg8[%get3A_555] {strides = array<i32>} : memref<512xi32, #tpu.memory_space<vmem>>, vector<16xi32>,
    %get3A_557 = vector.shape_cast %get3A_556 : vector<16xi32> to vector<16xi32>
    %get3A_558 = arith.constant 256 : index
    %get3A_559 = tpu.vector_load %arg9[%get3A_558] {strides = array<i32>} : memref<512xi32, #tpu.memory_space<vmem>>, vector<16xi32>,
    %get3A_560 = vector.shape_cast %get3A_559 : vector<16xi32> to vector<16xi32>
    %shift_right_arithmetic3A_561 = arith.constant 12 : i32
    %shift_right_arithmetic3A_562 = vector.broadcast %shift_right_arithmetic3A_561 : i32 to vector<16xi32>
    %shift_right_arithmetic3A_563 = arith.shrsi %get3A_557, %shift_right_arithmetic3A_562 : vector<16xi32>
    %shift_left3A_564 = arith.constant 10 : i32
    %shift_left3A_565 = vector.broadcast %shift_left3A_564 : i32 to vector<16xi32>
    %shift_left3A_566 = arith.shli %shift_right_arithmetic3A_563, %shift_left3A_565 : vector<16xi32>
    %and3A_567 = arith.constant 1023 : i32
    %and3A_568 = vector.broadcast %and3A_567 : i32 to vector<16xi32>
    %and3A_569 = arith.andi %get3A_557, %and3A_568 : vector<16xi32>
    %or3A_570 = arith.ori %shift_left3A_566, %and3A_569 : vector<16xi32>
    %swap3A_571 = arith.constant 0 : index
    %swap3A_572 = tpu.vector_load %arg10[%swap3A_571] {strides = array<i32>} : memref<256xi32, #tpu.memory_space<vmem>>, vector<16xi32>,
    %swap3A_573 = vector.shape_cast %swap3A_572 : vector<16xi32> to vector<16xi32>
    %swap3A_574 = vector.shape_cast %or3A_570 : vector<16xi32> to vector<16xi32>
    tpu.vector_store %arg10[%swap3A_571], %swap3A_574 {strides = array<i32>} : memref<256xi32, #tpu.memory_space<vmem>>, vector<16xi32>,
    %shift_right_arithmetic3A_575 = arith.constant 12 : i32
    %shift_right_arithmetic3A_576 = vector.broadcast %shift_right_arithmetic3A_575 : i32 to vector<16xi32>
    %shift_right_arithmetic3A_577 = arith.shrsi %get3A_560, %shift_right_arithmetic3A_576 : vector<16xi32>
    %shift_left3A_578 = arith.constant 10 : i32
    %shift_left3A_579 = vector.broadcast %shift_left3A_578 : i32 to vector<16xi32>
    %shift_left3A_580 = arith.shli %shift_right_arithmetic3A_577, %shift_left3A_579 : vector<16xi32>
    %and3A_581 = arith.constant 1023 : i32
    %and3A_582 = vector.broadcast %and3A_581 : i32 to vector<16xi32>
    %and3A_583 = arith.andi %get3A_560, %and3A_582 : vector<16xi32>
    %or3A_584 = arith.ori %shift_left3A_580, %and3A_583 : vector<16xi32>
    %swap3A_585 = arith.constant 0 : index
    %swap3A_586 = tpu.vector_load %arg11[%swap3A_585] {strides = array<i32>} : memref<256xi32, #tpu.memory_space<vmem>>, vector<16xi32>,
    %swap3A_587 = vector.shape_cast %swap3A_586 : vector<16xi32> to vector<16xi32>
    %swap3A_588 = vector.shape_cast %or3A_584 : vector<16xi32> to vector<16xi32>
    tpu.vector_store %arg11[%swap3A_585], %swap3A_588 {strides = array<i32>} : memref<256xi32, #tpu.memory_space<vmem>>, vector<16xi32>,
    %get3A_589 = arith.constant 272 : index
    %get3A_590 = tpu.vector_load %arg8[%get3A_589] {strides = array<i32>} : memref<512xi32, #tpu.memory_space<vmem>>, vector<16xi32>,
    %get3A_591 = vector.shape_cast %get3A_590 : vector<16xi32> to vector<16xi32>
    %get3A_592 = arith.constant 272 : index
    %get3A_593 = tpu.vector_load %arg9[%get3A_592] {strides = array<i32>} : memref<512xi32, #tpu.memory_space<vmem>>, vector<16xi32>,
    %get3A_594 = vector.shape_cast %get3A_593 : vector<16xi32> to vector<16xi32>
    %shift_right_arithmetic3A_595 = arith.constant 12 : i32
    %shift_right_arithmetic3A_596 = vector.broadcast %shift_right_arithmetic3A_595 : i32 to vector<16xi32>
    %shift_right_arithmetic3A_597 = arith.shrsi %get3A_591, %shift_right_arithmetic3A_596 : vector<16xi32>
    %shift_left3A_598 = arith.constant 10 : i32
    %shift_left3A_599 = vector.broadcast %shift_left3A_598 : i32 to vector<16xi32>
    %shift_left3A_600 = arith.shli %shift_right_arithmetic3A_597, %shift_left3A_599 : vector<16xi32>
    %and3A_601 = arith.constant 1023 : i32
    %and3A_602 = vector.broadcast %and3A_601 : i32 to vector<16xi32>
    %and3A_603 = arith.andi %get3A_591, %and3A_602 : vector<16xi32>
    %or3A_604 = arith.ori %shift_left3A_600, %and3A_603 : vector<16xi32>
    %swap3A_605 = arith.constant 16 : index
    %swap3A_606 = tpu.vector_load %arg10[%swap3A_605] {strides = array<i32>} : memref<256xi32, #tpu.memory_space<vmem>>, vector<16xi32>,
    %swap3A_607 = vector.shape_cast %swap3A_606 : vector<16xi32> to vector<16xi32>
    %swap3A_608 = vector.shape_cast %or3A_604 : vector<16xi32> to vector<16xi32>
    tpu.vector_store %arg10[%swap3A_605], %swap3A_608 {strides = array<i32>} : memref<256xi32, #tpu.memory_space<vmem>>, vector<16xi32>,
    %shift_right_arithmetic3A_609 = arith.constant 12 : i32
    %shift_right_arithmetic3A_610 = vector.broadcast %shift_right_arithmetic3A_609 : i32 to vector<16xi32>
    %shift_right_arithmetic3A_611 = arith.shrsi %get3A_594, %shift_right_arithmetic3A_610 : vector<16xi32>
    %shift_left3A_612 = arith.constant 10 : i32
    %shift_left3A_613 = vector.broadcast %shift_left3A_612 : i32 to vector<16xi32>
    %shift_left3A_614 = arith.shli %shift_right_arithmetic3A_611, %shift_left3A_613 : vector<16xi32>
    %and3A_615 = arith.constant 1023 : i32
    %and3A_616 = vector.broadcast %and3A_615 : i32 to vector<16xi32>
    %and3A_617 = arith.andi %get3A_594, %and3A_616 : vector<16xi32>
    %or3A_618 = arith.ori %shift_left3A_614, %and3A_617 : vector<16xi32>
    %swap3A_619 = arith.constant 16 : index
    %swap3A_620 = tpu.vector_load %arg11[%swap3A_619] {strides = array<i32>} : memref<256xi32, #tpu.memory_space<vmem>>, vector<16xi32>,
    %swap3A_621 = vector.shape_cast %swap3A_620 : vector<16xi32> to vector<16xi32>
    %swap3A_622 = vector.shape_cast %or3A_618 : vector<16xi32> to vector<16xi32>
    tpu.vector_store %arg11[%swap3A_619], %swap3A_622 {strides = array<i32>} : memref<256xi32, #tpu.memory_space<vmem>>, vector<16xi32>,
    %get3A_623 = arith.constant 288 : index
    %get3A_624 = tpu.vector_load %arg8[%get3A_623] {strides = array<i32>} : memref<512xi32, #tpu.memory_space<vmem>>, vector<16xi32>,
    %get3A_625 = vector.shape_cast %get3A_624 : vector<16xi32> to vector<16xi32>
    %get3A_626 = arith.constant 288 : index
    %get3A_627 = tpu.vector_load %arg9[%get3A_626] {strides = array<i32>} : memref<512xi32, #tpu.memory_space<vmem>>, vector<16xi32>,
    %get3A_628 = vector.shape_cast %get3A_627 : vector<16xi32> to vector<16xi32>
    %shift_right_arithmetic3A_629 = arith.constant 12 : i32
    %shift_right_arithmetic3A_630 = vector.broadcast %shift_right_arithmetic3A_629 : i32 to vector<16xi32>
    %shift_right_arithmetic3A_631 = arith.shrsi %get3A_625, %shift_right_arithmetic3A_630 : vector<16xi32>
    %shift_left3A_632 = arith.constant 10 : i32
    %shift_left3A_633 = vector.broadcast %shift_left3A_632 : i32 to vector<16xi32>
    %shift_left3A_634 = arith.shli %shift_right_arithmetic3A_631, %shift_left3A_633 : vector<16xi32>
    %and3A_635 = arith.constant 1023 : i32
    %and3A_636 = vector.broadcast %and3A_635 : i32 to vector<16xi32>
    %and3A_637 = arith.andi %get3A_625, %and3A_636 : vector<16xi32>
    %or3A_638 = arith.ori %shift_left3A_634, %and3A_637 : vector<16xi32>
    %swap3A_639 = arith.constant 32 : index
    %swap3A_640 = tpu.vector_load %arg10[%swap3A_639] {strides = array<i32>} : memref<256xi32, #tpu.memory_space<vmem>>, vector<16xi32>,
    %swap3A_641 = vector.shape_cast %swap3A_640 : vector<16xi32> to vector<16xi32>
    %swap3A_642 = vector.shape_cast %or3A_638 : vector<16xi32> to vector<16xi32>
    tpu.vector_store %arg10[%swap3A_639], %swap3A_642 {strides = array<i32>} : memref<256xi32, #tpu.memory_space<vmem>>, vector<16xi32>,
    %shift_right_arithmetic3A_643 = arith.constant 12 : i32
    %shift_right_arithmetic3A_644 = vector.broadcast %shift_right_arithmetic3A_643 : i32 to vector<16xi32>
    %shift_right_arithmetic3A_645 = arith.shrsi %get3A_628, %shift_right_arithmetic3A_644 : vector<16xi32>
    %shift_left3A_646 = arith.constant 10 : i32
    %shift_left3A_647 = vector.broadcast %shift_left3A_646 : i32 to vector<16xi32>
    %shift_left3A_648 = arith.shli %shift_right_arithmetic3A_645, %shift_left3A_647 : vector<16xi32>
    %and3A_649 = arith.constant 1023 : i32
    %and3A_650 = vector.broadcast %and3A_649 : i32 to vector<16xi32>
    %and3A_651 = arith.andi %get3A_628, %and3A_650 : vector<16xi32>
    %or3A_652 = arith.ori %shift_left3A_648, %and3A_651 : vector<16xi32>
    %swap3A_653 = arith.constant 32 : index
    %swap3A_654 = tpu.vector_load %arg11[%swap3A_653] {strides = array<i32>} : memref<256xi32, #tpu.memory_space<vmem>>, vector<16xi32>,
    %swap3A_655 = vector.shape_cast %swap3A_654 : vector<16xi32> to vector<16xi32>
    %swap3A_656 = vector.shape_cast %or3A_652 : vector<16xi32> to vector<16xi32>
    tpu.vector_store %arg11[%swap3A_653], %swap3A_656 {strides = array<i32>} : memref<256xi32, #tpu.memory_space<vmem>>, vector<16xi32>,
    %get3A_657 = arith.constant 304 : index
    %get3A_658 = tpu.vector_load %arg8[%get3A_657] {strides = array<i32>} : memref<512xi32, #tpu.memory_space<vmem>>, vector<16xi32>,
    %get3A_659 = vector.shape_cast %get3A_658 : vector<16xi32> to vector<16xi32>
    %get3A_660 = arith.constant 304 : index
    %get3A_661 = tpu.vector_load %arg9[%get3A_660] {strides = array<i32>} : memref<512xi32, #tpu.memory_space<vmem>>, vector<16xi32>,
    %get3A_662 = vector.shape_cast %get3A_661 : vector<16xi32> to vector<16xi32>
    %shift_right_arithmetic3A_663 = arith.constant 12 : i32
    %shift_right_arithmetic3A_664 = vector.broadcast %shift_right_arithmetic3A_663 : i32 to vector<16xi32>
    %shift_right_arithmetic3A_665 = arith.shrsi %get3A_659, %shift_right_arithmetic3A_664 : vector<16xi32>
    %shift_left3A_666 = arith.constant 10 : i32
    %shift_left3A_667 = vector.broadcast %shift_left3A_666 : i32 to vector<16xi32>
    %shift_left3A_668 = arith.shli %shift_right_arithmetic3A_665, %shift_left3A_667 : vector<16xi32>
    %and3A_669 = arith.constant 1023 : i32
    %and3A_670 = vector.broadcast %and3A_669 : i32 to vector<16xi32>
    %and3A_671 = arith.andi %get3A_659, %and3A_670 : vector<16xi32>
    %or3A_672 = arith.ori %shift_left3A_668, %and3A_671 : vector<16xi32>
    %swap3A_673 = arith.constant 48 : index
    %swap3A_674 = tpu.vector_load %arg10[%swap3A_673] {strides = array<i32>} : memref<256xi32, #tpu.memory_space<vmem>>, vector<16xi32>,
    %swap3A_675 = vector.shape_cast %swap3A_674 : vector<16xi32> to vector<16xi32>
    %swap3A_676 = vector.shape_cast %or3A_672 : vector<16xi32> to vector<16xi32>
    tpu.vector_store %arg10[%swap3A_673], %swap3A_676 {strides = array<i32>} : memref<256xi32, #tpu.memory_space<vmem>>, vector<16xi32>,
    %shift_right_arithmetic3A_677 = arith.constant 12 : i32
    %shift_right_arithmetic3A_678 = vector.broadcast %shift_right_arithmetic3A_677 : i32 to vector<16xi32>
    %shift_right_arithmetic3A_679 = arith.shrsi %get3A_662, %shift_right_arithmetic3A_678 : vector<16xi32>
    %shift_left3A_680 = arith.constant 10 : i32
    %shift_left3A_681 = vector.broadcast %shift_left3A_680 : i32 to vector<16xi32>
    %shift_left3A_682 = arith.shli %shift_right_arithmetic3A_679, %shift_left3A_681 : vector<16xi32>
    %and3A_683 = arith.constant 1023 : i32
    %and3A_684 = vector.broadcast %and3A_683 : i32 to vector<16xi32>
    %and3A_685 = arith.andi %get3A_662, %and3A_684 : vector<16xi32>
    %or3A_686 = arith.ori %shift_left3A_682, %and3A_685 : vector<16xi32>
    %swap3A_687 = arith.constant 48 : index
    %swap3A_688 = tpu.vector_load %arg11[%swap3A_687] {strides = array<i32>} : memref<256xi32, #tpu.memory_space<vmem>>, vector<16xi32>,
    %swap3A_689 = vector.shape_cast %swap3A_688 : vector<16xi32> to vector<16xi32>
    %swap3A_690 = vector.shape_cast %or3A_686 : vector<16xi32> to vector<16xi32>
    tpu.vector_store %arg11[%swap3A_687], %swap3A_690 {strides = array<i32>} : memref<256xi32, #tpu.memory_space<vmem>>, vector<16xi32>,
    %get3A_691 = arith.constant 320 : index
    %get3A_692 = tpu.vector_load %arg8[%get3A_691] {strides = array<i32>} : memref<512xi32, #tpu.memory_space<vmem>>, vector<16xi32>,
    %get3A_693 = vector.shape_cast %get3A_692 : vector<16xi32> to vector<16xi32>
    %get3A_694 = arith.constant 320 : index
    %get3A_695 = tpu.vector_load %arg9[%get3A_694] {strides = array<i32>} : memref<512xi32, #tpu.memory_space<vmem>>, vector<16xi32>,
    %get3A_696 = vector.shape_cast %get3A_695 : vector<16xi32> to vector<16xi32>
    %shift_right_arithmetic3A_697 = arith.constant 12 : i32
    %shift_right_arithmetic3A_698 = vector.broadcast %shift_right_arithmetic3A_697 : i32 to vector<16xi32>
    %shift_right_arithmetic3A_699 = arith.shrsi %get3A_693, %shift_right_arithmetic3A_698 : vector<16xi32>
    %shift_left3A_700 = arith.constant 10 : i32
    %shift_left3A_701 = vector.broadcast %shift_left3A_700 : i32 to vector<16xi32>
    %shift_left3A_702 = arith.shli %shift_right_arithmetic3A_699, %shift_left3A_701 : vector<16xi32>
    %and3A_703 = arith.constant 1023 : i32
    %and3A_704 = vector.broadcast %and3A_703 : i32 to vector<16xi32>
    %and3A_705 = arith.andi %get3A_693, %and3A_704 : vector<16xi32>
    %or3A_706 = arith.ori %shift_left3A_702, %and3A_705 : vector<16xi32>
    %swap3A_707 = arith.constant 64 : index
    %swap3A_708 = tpu.vector_load %arg10[%swap3A_707] {strides = array<i32>} : memref<256xi32, #tpu.memory_space<vmem>>, vector<16xi32>,
    %swap3A_709 = vector.shape_cast %swap3A_708 : vector<16xi32> to vector<16xi32>
    %swap3A_710 = vector.shape_cast %or3A_706 : vector<16xi32> to vector<16xi32>
    tpu.vector_store %arg10[%swap3A_707], %swap3A_710 {strides = array<i32>} : memref<256xi32, #tpu.memory_space<vmem>>, vector<16xi32>,
    %shift_right_arithmetic3A_711 = arith.constant 12 : i32
    %shift_right_arithmetic3A_712 = vector.broadcast %shift_right_arithmetic3A_711 : i32 to vector<16xi32>
    %shift_right_arithmetic3A_713 = arith.shrsi %get3A_696, %shift_right_arithmetic3A_712 : vector<16xi32>
    %shift_left3A_714 = arith.constant 10 : i32
    %shift_left3A_715 = vector.broadcast %shift_left3A_714 : i32 to vector<16xi32>
    %shift_left3A_716 = arith.shli %shift_right_arithmetic3A_713, %shift_left3A_715 : vector<16xi32>
    %and3A_717 = arith.constant 1023 : i32
    %and3A_718 = vector.broadcast %and3A_717 : i32 to vector<16xi32>
    %and3A_719 = arith.andi %get3A_696, %and3A_718 : vector<16xi32>
    %or3A_720 = arith.ori %shift_left3A_716, %and3A_719 : vector<16xi32>
    %swap3A_721 = arith.constant 64 : index
    %swap3A_722 = tpu.vector_load %arg11[%swap3A_721] {strides = array<i32>} : memref<256xi32, #tpu.memory_space<vmem>>, vector<16xi32>,
    %swap3A_723 = vector.shape_cast %swap3A_722 : vector<16xi32> to vector<16xi32>
    %swap3A_724 = vector.shape_cast %or3A_720 : vector<16xi32> to vector<16xi32>
    tpu.vector_store %arg11[%swap3A_721], %swap3A_724 {strides = array<i32>} : memref<256xi32, #tpu.memory_space<vmem>>, vector<16xi32>,
    %get3A_725 = arith.constant 336 : index
    %get3A_726 = tpu.vector_load %arg8[%get3A_725] {strides = array<i32>} : memref<512xi32, #tpu.memory_space<vmem>>, vector<16xi32>,
    %get3A_727 = vector.shape_cast %get3A_726 : vector<16xi32> to vector<16xi32>
    %get3A_728 = arith.constant 336 : index
    %get3A_729 = tpu.vector_load %arg9[%get3A_728] {strides = array<i32>} : memref<512xi32, #tpu.memory_space<vmem>>, vector<16xi32>,
    %get3A_730 = vector.shape_cast %get3A_729 : vector<16xi32> to vector<16xi32>
    %shift_right_arithmetic3A_731 = arith.constant 12 : i32
    %shift_right_arithmetic3A_732 = vector.broadcast %shift_right_arithmetic3A_731 : i32 to vector<16xi32>
    %shift_right_arithmetic3A_733 = arith.shrsi %get3A_727, %shift_right_arithmetic3A_732 : vector<16xi32>
    %shift_left3A_734 = arith.constant 10 : i32
    %shift_left3A_735 = vector.broadcast %shift_left3A_734 : i32 to vector<16xi32>
    %shift_left3A_736 = arith.shli %shift_right_arithmetic3A_733, %shift_left3A_735 : vector<16xi32>
    %and3A_737 = arith.constant 1023 : i32
    %and3A_738 = vector.broadcast %and3A_737 : i32 to vector<16xi32>
    %and3A_739 = arith.andi %get3A_727, %and3A_738 : vector<16xi32>
    %or3A_740 = arith.ori %shift_left3A_736, %and3A_739 : vector<16xi32>
    %swap3A_741 = arith.constant 80 : index
    %swap3A_742 = tpu.vector_load %arg10[%swap3A_741] {strides = array<i32>} : memref<256xi32, #tpu.memory_space<vmem>>, vector<16xi32>,
    %swap3A_743 = vector.shape_cast %swap3A_742 : vector<16xi32> to vector<16xi32>
    %swap3A_744 = vector.shape_cast %or3A_740 : vector<16xi32> to vector<16xi32>
    tpu.vector_store %arg10[%swap3A_741], %swap3A_744 {strides = array<i32>} : memref<256xi32, #tpu.memory_space<vmem>>, vector<16xi32>,
    %shift_right_arithmetic3A_745 = arith.constant 12 : i32
    %shift_right_arithmetic3A_746 = vector.broadcast %shift_right_arithmetic3A_745 : i32 to vector<16xi32>
    %shift_right_arithmetic3A_747 = arith.shrsi %get3A_730, %shift_right_arithmetic3A_746 : vector<16xi32>
    %shift_left3A_748 = arith.constant 10 : i32
    %shift_left3A_749 = vector.broadcast %shift_left3A_748 : i32 to vector<16xi32>
    %shift_left3A_750 = arith.shli %shift_right_arithmetic3A_747, %shift_left3A_749 : vector<16xi32>
    %and3A_751 = arith.constant 1023 : i32
    %and3A_752 = vector.broadcast %and3A_751 : i32 to vector<16xi32>
    %and3A_753 = arith.andi %get3A_730, %and3A_752 : vector<16xi32>
    %or3A_754 = arith.ori %shift_left3A_750, %and3A_753 : vector<16xi32>
    %swap3A_755 = arith.constant 80 : index
    %swap3A_756 = tpu.vector_load %arg11[%swap3A_755] {strides = array<i32>} : memref<256xi32, #tpu.memory_space<vmem>>, vector<16xi32>,
    %swap3A_757 = vector.shape_cast %swap3A_756 : vector<16xi32> to vector<16xi32>
    %swap3A_758 = vector.shape_cast %or3A_754 : vector<16xi32> to vector<16xi32>
    tpu.vector_store %arg11[%swap3A_755], %swap3A_758 {strides = array<i32>} : memref<256xi32, #tpu.memory_space<vmem>>, vector<16xi32>,
    %get3A_759 = arith.constant 352 : index
    %get3A_760 = tpu.vector_load %arg8[%get3A_759] {strides = array<i32>} : memref<512xi32, #tpu.memory_space<vmem>>, vector<16xi32>,
    %get3A_761 = vector.shape_cast %get3A_760 : vector<16xi32> to vector<16xi32>
    %get3A_762 = arith.constant 352 : index
    %get3A_763 = tpu.vector_load %arg9[%get3A_762] {strides = array<i32>} : memref<512xi32, #tpu.memory_space<vmem>>, vector<16xi32>,
    %get3A_764 = vector.shape_cast %get3A_763 : vector<16xi32> to vector<16xi32>
    %shift_right_arithmetic3A_765 = arith.constant 12 : i32
    %shift_right_arithmetic3A_766 = vector.broadcast %shift_right_arithmetic3A_765 : i32 to vector<16xi32>
    %shift_right_arithmetic3A_767 = arith.shrsi %get3A_761, %shift_right_arithmetic3A_766 : vector<16xi32>
    %shift_left3A_768 = arith.constant 10 : i32
    %shift_left3A_769 = vector.broadcast %shift_left3A_768 : i32 to vector<16xi32>
    %shift_left3A_770 = arith.shli %shift_right_arithmetic3A_767, %shift_left3A_769 : vector<16xi32>
    %and3A_771 = arith.constant 1023 : i32
    %and3A_772 = vector.broadcast %and3A_771 : i32 to vector<16xi32>
    %and3A_773 = arith.andi %get3A_761, %and3A_772 : vector<16xi32>
    %or3A_774 = arith.ori %shift_left3A_770, %and3A_773 : vector<16xi32>
    %swap3A_775 = arith.constant 96 : index
    %swap3A_776 = tpu.vector_load %arg10[%swap3A_775] {strides = array<i32>} : memref<256xi32, #tpu.memory_space<vmem>>, vector<16xi32>,
    %swap3A_777 = vector.shape_cast %swap3A_776 : vector<16xi32> to vector<16xi32>
    %swap3A_778 = vector.shape_cast %or3A_774 : vector<16xi32> to vector<16xi32>
    tpu.vector_store %arg10[%swap3A_775], %swap3A_778 {strides = array<i32>} : memref<256xi32, #tpu.memory_space<vmem>>, vector<16xi32>,
    %shift_right_arithmetic3A_779 = arith.constant 12 : i32
    %shift_right_arithmetic3A_780 = vector.broadcast %shift_right_arithmetic3A_779 : i32 to vector<16xi32>
    %shift_right_arithmetic3A_781 = arith.shrsi %get3A_764, %shift_right_arithmetic3A_780 : vector<16xi32>
    %shift_left3A_782 = arith.constant 10 : i32
    %shift_left3A_783 = vector.broadcast %shift_left3A_782 : i32 to vector<16xi32>
    %shift_left3A_784 = arith.shli %shift_right_arithmetic3A_781, %shift_left3A_783 : vector<16xi32>
    %and3A_785 = arith.constant 1023 : i32
    %and3A_786 = vector.broadcast %and3A_785 : i32 to vector<16xi32>
    %and3A_787 = arith.andi %get3A_764, %and3A_786 : vector<16xi32>
    %or3A_788 = arith.ori %shift_left3A_784, %and3A_787 : vector<16xi32>
    %swap3A_789 = arith.constant 96 : index
    %swap3A_790 = tpu.vector_load %arg11[%swap3A_789] {strides = array<i32>} : memref<256xi32, #tpu.memory_space<vmem>>, vector<16xi32>,
    %swap3A_791 = vector.shape_cast %swap3A_790 : vector<16xi32> to vector<16xi32>
    %swap3A_792 = vector.shape_cast %or3A_788 : vector<16xi32> to vector<16xi32>
    tpu.vector_store %arg11[%swap3A_789], %swap3A_792 {strides = array<i32>} : memref<256xi32, #tpu.memory_space<vmem>>, vector<16xi32>,
    %get3A_793 = arith.constant 368 : index
    %get3A_794 = tpu.vector_load %arg8[%get3A_793] {strides = array<i32>} : memref<512xi32, #tpu.memory_space<vmem>>, vector<16xi32>,
    %get3A_795 = vector.shape_cast %get3A_794 : vector<16xi32> to vector<16xi32>
    %get3A_796 = arith.constant 368 : index
    %get3A_797 = tpu.vector_load %arg9[%get3A_796] {strides = array<i32>} : memref<512xi32, #tpu.memory_space<vmem>>, vector<16xi32>,
    %get3A_798 = vector.shape_cast %get3A_797 : vector<16xi32> to vector<16xi32>
    %shift_right_arithmetic3A_799 = arith.constant 12 : i32
    %shift_right_arithmetic3A_800 = vector.broadcast %shift_right_arithmetic3A_799 : i32 to vector<16xi32>
    %shift_right_arithmetic3A_801 = arith.shrsi %get3A_795, %shift_right_arithmetic3A_800 : vector<16xi32>
    %shift_left3A_802 = arith.constant 10 : i32
    %shift_left3A_803 = vector.broadcast %shift_left3A_802 : i32 to vector<16xi32>
    %shift_left3A_804 = arith.shli %shift_right_arithmetic3A_801, %shift_left3A_803 : vector<16xi32>
    %and3A_805 = arith.constant 1023 : i32
    %and3A_806 = vector.broadcast %and3A_805 : i32 to vector<16xi32>
    %and3A_807 = arith.andi %get3A_795, %and3A_806 : vector<16xi32>
    %or3A_808 = arith.ori %shift_left3A_804, %and3A_807 : vector<16xi32>
    %swap3A_809 = arith.constant 112 : index
    %swap3A_810 = tpu.vector_load %arg10[%swap3A_809] {strides = array<i32>} : memref<256xi32, #tpu.memory_space<vmem>>, vector<16xi32>,
    %swap3A_811 = vector.shape_cast %swap3A_810 : vector<16xi32> to vector<16xi32>
    %swap3A_812 = vector.shape_cast %or3A_808 : vector<16xi32> to vector<16xi32>
    tpu.vector_store %arg10[%swap3A_809], %swap3A_812 {strides = array<i32>} : memref<256xi32, #tpu.memory_space<vmem>>, vector<16xi32>,
    %shift_right_arithmetic3A_813 = arith.constant 12 : i32
    %shift_right_arithmetic3A_814 = vector.broadcast %shift_right_arithmetic3A_813 : i32 to vector<16xi32>
    %shift_right_arithmetic3A_815 = arith.shrsi %get3A_798, %shift_right_arithmetic3A_814 : vector<16xi32>
    %shift_left3A_816 = arith.constant 10 : i32
    %shift_left3A_817 = vector.broadcast %shift_left3A_816 : i32 to vector<16xi32>
    %shift_left3A_818 = arith.shli %shift_right_arithmetic3A_815, %shift_left3A_817 : vector<16xi32>
    %and3A_819 = arith.constant 1023 : i32
    %and3A_820 = vector.broadcast %and3A_819 : i32 to vector<16xi32>
    %and3A_821 = arith.andi %get3A_798, %and3A_820 : vector<16xi32>
    %or3A_822 = arith.ori %shift_left3A_818, %and3A_821 : vector<16xi32>
    %swap3A_823 = arith.constant 112 : index
    %swap3A_824 = tpu.vector_load %arg11[%swap3A_823] {strides = array<i32>} : memref<256xi32, #tpu.memory_space<vmem>>, vector<16xi32>,
    %swap3A_825 = vector.shape_cast %swap3A_824 : vector<16xi32> to vector<16xi32>
    %swap3A_826 = vector.shape_cast %or3A_822 : vector<16xi32> to vector<16xi32>
    tpu.vector_store %arg11[%swap3A_823], %swap3A_826 {strides = array<i32>} : memref<256xi32, #tpu.memory_space<vmem>>, vector<16xi32>,
    %get3A_827 = arith.constant 384 : index
    %get3A_828 = tpu.vector_load %arg8[%get3A_827] {strides = array<i32>} : memref<512xi32, #tpu.memory_space<vmem>>, vector<16xi32>,
    %get3A_829 = vector.shape_cast %get3A_828 : vector<16xi32> to vector<16xi32>
    %get3A_830 = arith.constant 384 : index
    %get3A_831 = tpu.vector_load %arg9[%get3A_830] {strides = array<i32>} : memref<512xi32, #tpu.memory_space<vmem>>, vector<16xi32>,
    %get3A_832 = vector.shape_cast %get3A_831 : vector<16xi32> to vector<16xi32>
    %shift_right_arithmetic3A_833 = arith.constant 12 : i32
    %shift_right_arithmetic3A_834 = vector.broadcast %shift_right_arithmetic3A_833 : i32 to vector<16xi32>
    %shift_right_arithmetic3A_835 = arith.shrsi %get3A_829, %shift_right_arithmetic3A_834 : vector<16xi32>
    %shift_left3A_836 = arith.constant 10 : i32
    %shift_left3A_837 = vector.broadcast %shift_left3A_836 : i32 to vector<16xi32>
    %shift_left3A_838 = arith.shli %shift_right_arithmetic3A_835, %shift_left3A_837 : vector<16xi32>
    %and3A_839 = arith.constant 1023 : i32
    %and3A_840 = vector.broadcast %and3A_839 : i32 to vector<16xi32>
    %and3A_841 = arith.andi %get3A_829, %and3A_840 : vector<16xi32>
    %or3A_842 = arith.ori %shift_left3A_838, %and3A_841 : vector<16xi32>
    %swap3A_843 = arith.constant 128 : index
    %swap3A_844 = tpu.vector_load %arg10[%swap3A_843] {strides = array<i32>} : memref<256xi32, #tpu.memory_space<vmem>>, vector<16xi32>,
    %swap3A_845 = vector.shape_cast %swap3A_844 : vector<16xi32> to vector<16xi32>
    %swap3A_846 = vector.shape_cast %or3A_842 : vector<16xi32> to vector<16xi32>
    tpu.vector_store %arg10[%swap3A_843], %swap3A_846 {strides = array<i32>} : memref<256xi32, #tpu.memory_space<vmem>>, vector<16xi32>,
    %shift_right_arithmetic3A_847 = arith.constant 12 : i32
    %shift_right_arithmetic3A_848 = vector.broadcast %shift_right_arithmetic3A_847 : i32 to vector<16xi32>
    %shift_right_arithmetic3A_849 = arith.shrsi %get3A_832, %shift_right_arithmetic3A_848 : vector<16xi32>
    %shift_left3A_850 = arith.constant 10 : i32
    %shift_left3A_851 = vector.broadcast %shift_left3A_850 : i32 to vector<16xi32>
    %shift_left3A_852 = arith.shli %shift_right_arithmetic3A_849, %shift_left3A_851 : vector<16xi32>
    %and3A_853 = arith.constant 1023 : i32
    %and3A_854 = vector.broadcast %and3A_853 : i32 to vector<16xi32>
    %and3A_855 = arith.andi %get3A_832, %and3A_854 : vector<16xi32>
    %or3A_856 = arith.ori %shift_left3A_852, %and3A_855 : vector<16xi32>
    %swap3A_857 = arith.constant 128 : index
    %swap3A_858 = tpu.vector_load %arg11[%swap3A_857] {strides = array<i32>} : memref<256xi32, #tpu.memory_space<vmem>>, vector<16xi32>,
    %swap3A_859 = vector.shape_cast %swap3A_858 : vector<16xi32> to vector<16xi32>
    %swap3A_860 = vector.shape_cast %or3A_856 : vector<16xi32> to vector<16xi32>
    tpu.vector_store %arg11[%swap3A_857], %swap3A_860 {strides = array<i32>} : memref<256xi32, #tpu.memory_space<vmem>>, vector<16xi32>,
    %get3A_861 = arith.constant 400 : index
    %get3A_862 = tpu.vector_load %arg8[%get3A_861] {strides = array<i32>} : memref<512xi32, #tpu.memory_space<vmem>>, vector<16xi32>,
    %get3A_863 = vector.shape_cast %get3A_862 : vector<16xi32> to vector<16xi32>
    %get3A_864 = arith.constant 400 : index
    %get3A_865 = tpu.vector_load %arg9[%get3A_864] {strides = array<i32>} : memref<512xi32, #tpu.memory_space<vmem>>, vector<16xi32>,
    %get3A_866 = vector.shape_cast %get3A_865 : vector<16xi32> to vector<16xi32>
    %shift_right_arithmetic3A_867 = arith.constant 12 : i32
    %shift_right_arithmetic3A_868 = vector.broadcast %shift_right_arithmetic3A_867 : i32 to vector<16xi32>
    %shift_right_arithmetic3A_869 = arith.shrsi %get3A_863, %shift_right_arithmetic3A_868 : vector<16xi32>
    %shift_left3A_870 = arith.constant 10 : i32
    %shift_left3A_871 = vector.broadcast %shift_left3A_870 : i32 to vector<16xi32>
    %shift_left3A_872 = arith.shli %shift_right_arithmetic3A_869, %shift_left3A_871 : vector<16xi32>
    %and3A_873 = arith.constant 1023 : i32
    %and3A_874 = vector.broadcast %and3A_873 : i32 to vector<16xi32>
    %and3A_875 = arith.andi %get3A_863, %and3A_874 : vector<16xi32>
    %or3A_876 = arith.ori %shift_left3A_872, %and3A_875 : vector<16xi32>
    %swap3A_877 = arith.constant 144 : index
    %swap3A_878 = tpu.vector_load %arg10[%swap3A_877] {strides = array<i32>} : memref<256xi32, #tpu.memory_space<vmem>>, vector<16xi32>,
    %swap3A_879 = vector.shape_cast %swap3A_878 : vector<16xi32> to vector<16xi32>
    %swap3A_880 = vector.shape_cast %or3A_876 : vector<16xi32> to vector<16xi32>
    tpu.vector_store %arg10[%swap3A_877], %swap3A_880 {strides = array<i32>} : memref<256xi32, #tpu.memory_space<vmem>>, vector<16xi32>,
    %shift_right_arithmetic3A_881 = arith.constant 12 : i32
    %shift_right_arithmetic3A_882 = vector.broadcast %shift_right_arithmetic3A_881 : i32 to vector<16xi32>
    %shift_right_arithmetic3A_883 = arith.shrsi %get3A_866, %shift_right_arithmetic3A_882 : vector<16xi32>
    %shift_left3A_884 = arith.constant 10 : i32
    %shift_left3A_885 = vector.broadcast %shift_left3A_884 : i32 to vector<16xi32>
    %shift_left3A_886 = arith.shli %shift_right_arithmetic3A_883, %shift_left3A_885 : vector<16xi32>
    %and3A_887 = arith.constant 1023 : i32
    %and3A_888 = vector.broadcast %and3A_887 : i32 to vector<16xi32>
    %and3A_889 = arith.andi %get3A_866, %and3A_888 : vector<16xi32>
    %or3A_890 = arith.ori %shift_left3A_886, %and3A_889 : vector<16xi32>
    %swap3A_891 = arith.constant 144 : index
    %swap3A_892 = tpu.vector_load %arg11[%swap3A_891] {strides = array<i32>} : memref<256xi32, #tpu.memory_space<vmem>>, vector<16xi32>,
    %swap3A_893 = vector.shape_cast %swap3A_892 : vector<16xi32> to vector<16xi32>
    %swap3A_894 = vector.shape_cast %or3A_890 : vector<16xi32> to vector<16xi32>
    tpu.vector_store %arg11[%swap3A_891], %swap3A_894 {strides = array<i32>} : memref<256xi32, #tpu.memory_space<vmem>>, vector<16xi32>,
    %get3A_895 = arith.constant 416 : index
    %get3A_896 = tpu.vector_load %arg8[%get3A_895] {strides = array<i32>} : memref<512xi32, #tpu.memory_space<vmem>>, vector<16xi32>,
    %get3A_897 = vector.shape_cast %get3A_896 : vector<16xi32> to vector<16xi32>
    %get3A_898 = arith.constant 416 : index
    %get3A_899 = tpu.vector_load %arg9[%get3A_898] {strides = array<i32>} : memref<512xi32, #tpu.memory_space<vmem>>, vector<16xi32>,
    %get3A_900 = vector.shape_cast %get3A_899 : vector<16xi32> to vector<16xi32>
    %shift_right_arithmetic3A_901 = arith.constant 12 : i32
    %shift_right_arithmetic3A_902 = vector.broadcast %shift_right_arithmetic3A_901 : i32 to vector<16xi32>
    %shift_right_arithmetic3A_903 = arith.shrsi %get3A_897, %shift_right_arithmetic3A_902 : vector<16xi32>
    %shift_left3A_904 = arith.constant 10 : i32
    %shift_left3A_905 = vector.broadcast %shift_left3A_904 : i32 to vector<16xi32>
    %shift_left3A_906 = arith.shli %shift_right_arithmetic3A_903, %shift_left3A_905 : vector<16xi32>
    %and3A_907 = arith.constant 1023 : i32
    %and3A_908 = vector.broadcast %and3A_907 : i32 to vector<16xi32>
    %and3A_909 = arith.andi %get3A_897, %and3A_908 : vector<16xi32>
    %or3A_910 = arith.ori %shift_left3A_906, %and3A_909 : vector<16xi32>
    %swap3A_911 = arith.constant 160 : index
    %swap3A_912 = tpu.vector_load %arg10[%swap3A_911] {strides = array<i32>} : memref<256xi32, #tpu.memory_space<vmem>>, vector<16xi32>,
    %swap3A_913 = vector.shape_cast %swap3A_912 : vector<16xi32> to vector<16xi32>
    %swap3A_914 = vector.shape_cast %or3A_910 : vector<16xi32> to vector<16xi32>
    tpu.vector_store %arg10[%swap3A_911], %swap3A_914 {strides = array<i32>} : memref<256xi32, #tpu.memory_space<vmem>>, vector<16xi32>,
    %shift_right_arithmetic3A_915 = arith.constant 12 : i32
    %shift_right_arithmetic3A_916 = vector.broadcast %shift_right_arithmetic3A_915 : i32 to vector<16xi32>
    %shift_right_arithmetic3A_917 = arith.shrsi %get3A_900, %shift_right_arithmetic3A_916 : vector<16xi32>
    %shift_left3A_918 = arith.constant 10 : i32
    %shift_left3A_919 = vector.broadcast %shift_left3A_918 : i32 to vector<16xi32>
    %shift_left3A_920 = arith.shli %shift_right_arithmetic3A_917, %shift_left3A_919 : vector<16xi32>
    %and3A_921 = arith.constant 1023 : i32
    %and3A_922 = vector.broadcast %and3A_921 : i32 to vector<16xi32>
    %and3A_923 = arith.andi %get3A_900, %and3A_922 : vector<16xi32>
    %or3A_924 = arith.ori %shift_left3A_920, %and3A_923 : vector<16xi32>
    %swap3A_925 = arith.constant 160 : index
    %swap3A_926 = tpu.vector_load %arg11[%swap3A_925] {strides = array<i32>} : memref<256xi32, #tpu.memory_space<vmem>>, vector<16xi32>,
    %swap3A_927 = vector.shape_cast %swap3A_926 : vector<16xi32> to vector<16xi32>
    %swap3A_928 = vector.shape_cast %or3A_924 : vector<16xi32> to vector<16xi32>
    tpu.vector_store %arg11[%swap3A_925], %swap3A_928 {strides = array<i32>} : memref<256xi32, #tpu.memory_space<vmem>>, vector<16xi32>,
    %get3A_929 = arith.constant 432 : index
    %get3A_930 = tpu.vector_load %arg8[%get3A_929] {strides = array<i32>} : memref<512xi32, #tpu.memory_space<vmem>>, vector<16xi32>,
    %get3A_931 = vector.shape_cast %get3A_930 : vector<16xi32> to vector<16xi32>
    %get3A_932 = arith.constant 432 : index
    %get3A_933 = tpu.vector_load %arg9[%get3A_932] {strides = array<i32>} : memref<512xi32, #tpu.memory_space<vmem>>, vector<16xi32>,
    %get3A_934 = vector.shape_cast %get3A_933 : vector<16xi32> to vector<16xi32>
    %shift_right_arithmetic3A_935 = arith.constant 12 : i32
    %shift_right_arithmetic3A_936 = vector.broadcast %shift_right_arithmetic3A_935 : i32 to vector<16xi32>
    %shift_right_arithmetic3A_937 = arith.shrsi %get3A_931, %shift_right_arithmetic3A_936 : vector<16xi32>
    %shift_left3A_938 = arith.constant 10 : i32
    %shift_left3A_939 = vector.broadcast %shift_left3A_938 : i32 to vector<16xi32>
    %shift_left3A_940 = arith.shli %shift_right_arithmetic3A_937, %shift_left3A_939 : vector<16xi32>
    %and3A_941 = arith.constant 1023 : i32
    %and3A_942 = vector.broadcast %and3A_941 : i32 to vector<16xi32>
    %and3A_943 = arith.andi %get3A_931, %and3A_942 : vector<16xi32>
    %or3A_944 = arith.ori %shift_left3A_940, %and3A_943 : vector<16xi32>
    %swap3A_945 = arith.constant 176 : index
    %swap3A_946 = tpu.vector_load %arg10[%swap3A_945] {strides = array<i32>} : memref<256xi32, #tpu.memory_space<vmem>>, vector<16xi32>,
    %swap3A_947 = vector.shape_cast %swap3A_946 : vector<16xi32> to vector<16xi32>
    %swap3A_948 = vector.shape_cast %or3A_944 : vector<16xi32> to vector<16xi32>
    tpu.vector_store %arg10[%swap3A_945], %swap3A_948 {strides = array<i32>} : memref<256xi32, #tpu.memory_space<vmem>>, vector<16xi32>,
    %shift_right_arithmetic3A_949 = arith.constant 12 : i32
    %shift_right_arithmetic3A_950 = vector.broadcast %shift_right_arithmetic3A_949 : i32 to vector<16xi32>
    %shift_right_arithmetic3A_951 = arith.shrsi %get3A_934, %shift_right_arithmetic3A_950 : vector<16xi32>
    %shift_left3A_952 = arith.constant 10 : i32
    %shift_left3A_953 = vector.broadcast %shift_left3A_952 : i32 to vector<16xi32>
    %shift_left3A_954 = arith.shli %shift_right_arithmetic3A_951, %shift_left3A_953 : vector<16xi32>
    %and3A_955 = arith.constant 1023 : i32
    %and3A_956 = vector.broadcast %and3A_955 : i32 to vector<16xi32>
    %and3A_957 = arith.andi %get3A_934, %and3A_956 : vector<16xi32>
    %or3A_958 = arith.ori %shift_left3A_954, %and3A_957 : vector<16xi32>
    %swap3A_959 = arith.constant 176 : index
    %swap3A_960 = tpu.vector_load %arg11[%swap3A_959] {strides = array<i32>} : memref<256xi32, #tpu.memory_space<vmem>>, vector<16xi32>,
    %swap3A_961 = vector.shape_cast %swap3A_960 : vector<16xi32> to vector<16xi32>
    %swap3A_962 = vector.shape_cast %or3A_958 : vector<16xi32> to vector<16xi32>
    tpu.vector_store %arg11[%swap3A_959], %swap3A_962 {strides = array<i32>} : memref<256xi32, #tpu.memory_space<vmem>>, vector<16xi32>,
    %get3A_963 = arith.constant 448 : index
    %get3A_964 = tpu.vector_load %arg8[%get3A_963] {strides = array<i32>} : memref<512xi32, #tpu.memory_space<vmem>>, vector<16xi32>,
    %get3A_965 = vector.shape_cast %get3A_964 : vector<16xi32> to vector<16xi32>
    %get3A_966 = arith.constant 448 : index
    %get3A_967 = tpu.vector_load %arg9[%get3A_966] {strides = array<i32>} : memref<512xi32, #tpu.memory_space<vmem>>, vector<16xi32>,
    %get3A_968 = vector.shape_cast %get3A_967 : vector<16xi32> to vector<16xi32>
    %shift_right_arithmetic3A_969 = arith.constant 12 : i32
    %shift_right_arithmetic3A_970 = vector.broadcast %shift_right_arithmetic3A_969 : i32 to vector<16xi32>
    %shift_right_arithmetic3A_971 = arith.shrsi %get3A_965, %shift_right_arithmetic3A_970 : vector<16xi32>
    %shift_left3A_972 = arith.constant 10 : i32
    %shift_left3A_973 = vector.broadcast %shift_left3A_972 : i32 to vector<16xi32>
    %shift_left3A_974 = arith.shli %shift_right_arithmetic3A_971, %shift_left3A_973 : vector<16xi32>
    %and3A_975 = arith.constant 1023 : i32
    %and3A_976 = vector.broadcast %and3A_975 : i32 to vector<16xi32>
    %and3A_977 = arith.andi %get3A_965, %and3A_976 : vector<16xi32>
    %or3A_978 = arith.ori %shift_left3A_974, %and3A_977 : vector<16xi32>
    %swap3A_979 = arith.constant 192 : index
    %swap3A_980 = tpu.vector_load %arg10[%swap3A_979] {strides = array<i32>} : memref<256xi32, #tpu.memory_space<vmem>>, vector<16xi32>,
    %swap3A_981 = vector.shape_cast %swap3A_980 : vector<16xi32> to vector<16xi32>
    %swap3A_982 = vector.shape_cast %or3A_978 : vector<16xi32> to vector<16xi32>
    tpu.vector_store %arg10[%swap3A_979], %swap3A_982 {strides = array<i32>} : memref<256xi32, #tpu.memory_space<vmem>>, vector<16xi32>,
    %shift_right_arithmetic3A_983 = arith.constant 12 : i32
    %shift_right_arithmetic3A_984 = vector.broadcast %shift_right_arithmetic3A_983 : i32 to vector<16xi32>
    %shift_right_arithmetic3A_985 = arith.shrsi %get3A_968, %shift_right_arithmetic3A_984 : vector<16xi32>
    %shift_left3A_986 = arith.constant 10 : i32
    %shift_left3A_987 = vector.broadcast %shift_left3A_986 : i32 to vector<16xi32>
    %shift_left3A_988 = arith.shli %shift_right_arithmetic3A_985, %shift_left3A_987 : vector<16xi32>
    %and3A_989 = arith.constant 1023 : i32
    %and3A_990 = vector.broadcast %and3A_989 : i32 to vector<16xi32>
    %and3A_991 = arith.andi %get3A_968, %and3A_990 : vector<16xi32>
    %or3A_992 = arith.ori %shift_left3A_988, %and3A_991 : vector<16xi32>
    %swap3A_993 = arith.constant 192 : index
    %swap3A_994 = tpu.vector_load %arg11[%swap3A_993] {strides = array<i32>} : memref<256xi32, #tpu.memory_space<vmem>>, vector<16xi32>,
    %swap3A_995 = vector.shape_cast %swap3A_994 : vector<16xi32> to vector<16xi32>
    %swap3A_996 = vector.shape_cast %or3A_992 : vector<16xi32> to vector<16xi32>
    tpu.vector_store %arg11[%swap3A_993], %swap3A_996 {strides = array<i32>} : memref<256xi32, #tpu.memory_space<vmem>>, vector<16xi32>,
    %get3A_997 = arith.constant 464 : index
    %get3A_998 = tpu.vector_load %arg8[%get3A_997] {strides = array<i32>} : memref<512xi32, #tpu.memory_space<vmem>>, vector<16xi32>,
    %get3A_999 = vector.shape_cast %get3A_998 : vector<16xi32> to vector<16xi32>
    %get3A_1000 = arith.constant 464 : index
    %get3A_1001 = tpu.vector_load %arg9[%get3A_1000] {strides = array<i32>} : memref<512xi32, #tpu.memory_space<vmem>>, vector<16xi32>,
    %get3A_1002 = vector.shape_cast %get3A_1001 : vector<16xi32> to vector<16xi32>
    %shift_right_arithmetic3A_1003 = arith.constant 12 : i32
    %shift_right_arithmetic3A_1004 = vector.broadcast %shift_right_arithmetic3A_1003 : i32 to vector<16xi32>
    %shift_right_arithmetic3A_1005 = arith.shrsi %get3A_999, %shift_right_arithmetic3A_1004 : vector<16xi32>
    %shift_left3A_1006 = arith.constant 10 : i32
    %shift_left3A_1007 = vector.broadcast %shift_left3A_1006 : i32 to vector<16xi32>
    %shift_left3A_1008 = arith.shli %shift_right_arithmetic3A_1005, %shift_left3A_1007 : vector<16xi32>
    %and3A_1009 = arith.constant 1023 : i32
    %and3A_1010 = vector.broadcast %and3A_1009 : i32 to vector<16xi32>
    %and3A_1011 = arith.andi %get3A_999, %and3A_1010 : vector<16xi32>
    %or3A_1012 = arith.ori %shift_left3A_1008, %and3A_1011 : vector<16xi32>
    %swap3A_1013 = arith.constant 208 : index
    %swap3A_1014 = tpu.vector_load %arg10[%swap3A_1013] {strides = array<i32>} : memref<256xi32, #tpu.memory_space<vmem>>, vector<16xi32>,
    %swap3A_1015 = vector.shape_cast %swap3A_1014 : vector<16xi32> to vector<16xi32>
    %swap3A_1016 = vector.shape_cast %or3A_1012 : vector<16xi32> to vector<16xi32>
    tpu.vector_store %arg10[%swap3A_1013], %swap3A_1016 {strides = array<i32>} : memref<256xi32, #tpu.memory_space<vmem>>, vector<16xi32>,
    %shift_right_arithmetic3A_1017 = arith.constant 12 : i32
    %shift_right_arithmetic3A_1018 = vector.broadcast %shift_right_arithmetic3A_1017 : i32 to vector<16xi32>
    %shift_right_arithmetic3A_1019 = arith.shrsi %get3A_1002, %shift_right_arithmetic3A_1018 : vector<16xi32>
    %shift_left3A_1020 = arith.constant 10 : i32
    %shift_left3A_1021 = vector.broadcast %shift_left3A_1020 : i32 to vector<16xi32>
    %shift_left3A_1022 = arith.shli %shift_right_arithmetic3A_1019, %shift_left3A_1021 : vector<16xi32>
    %and3A_1023 = arith.constant 1023 : i32
    %and3A_1024 = vector.broadcast %and3A_1023 : i32 to vector<16xi32>
    %and3A_1025 = arith.andi %get3A_1002, %and3A_1024 : vector<16xi32>
    %or3A_1026 = arith.ori %shift_left3A_1022, %and3A_1025 : vector<16xi32>
    %swap3A_1027 = arith.constant 208 : index
    %swap3A_1028 = tpu.vector_load %arg11[%swap3A_1027] {strides = array<i32>} : memref<256xi32, #tpu.memory_space<vmem>>, vector<16xi32>,
    %swap3A_1029 = vector.shape_cast %swap3A_1028 : vector<16xi32> to vector<16xi32>
    %swap3A_1030 = vector.shape_cast %or3A_1026 : vector<16xi32> to vector<16xi32>
    tpu.vector_store %arg11[%swap3A_1027], %swap3A_1030 {strides = array<i32>} : memref<256xi32, #tpu.memory_space<vmem>>, vector<16xi32>,
    %get3A_1031 = arith.constant 480 : index
    %get3A_1032 = tpu.vector_load %arg8[%get3A_1031] {strides = array<i32>} : memref<512xi32, #tpu.memory_space<vmem>>, vector<16xi32>,
    %get3A_1033 = vector.shape_cast %get3A_1032 : vector<16xi32> to vector<16xi32>
    %get3A_1034 = arith.constant 480 : index
    %get3A_1035 = tpu.vector_load %arg9[%get3A_1034] {strides = array<i32>} : memref<512xi32, #tpu.memory_space<vmem>>, vector<16xi32>,
    %get3A_1036 = vector.shape_cast %get3A_1035 : vector<16xi32> to vector<16xi32>
    %shift_right_arithmetic3A_1037 = arith.constant 12 : i32
    %shift_right_arithmetic3A_1038 = vector.broadcast %shift_right_arithmetic3A_1037 : i32 to vector<16xi32>
    %shift_right_arithmetic3A_1039 = arith.shrsi %get3A_1033, %shift_right_arithmetic3A_1038 : vector<16xi32>
    %shift_left3A_1040 = arith.constant 10 : i32
    %shift_left3A_1041 = vector.broadcast %shift_left3A_1040 : i32 to vector<16xi32>
    %shift_left3A_1042 = arith.shli %shift_right_arithmetic3A_1039, %shift_left3A_1041 : vector<16xi32>
    %and3A_1043 = arith.constant 1023 : i32
    %and3A_1044 = vector.broadcast %and3A_1043 : i32 to vector<16xi32>
    %and3A_1045 = arith.andi %get3A_1033, %and3A_1044 : vector<16xi32>
    %or3A_1046 = arith.ori %shift_left3A_1042, %and3A_1045 : vector<16xi32>
    %swap3A_1047 = arith.constant 224 : index
    %swap3A_1048 = tpu.vector_load %arg10[%swap3A_1047] {strides = array<i32>} : memref<256xi32, #tpu.memory_space<vmem>>, vector<16xi32>,
    %swap3A_1049 = vector.shape_cast %swap3A_1048 : vector<16xi32> to vector<16xi32>
    %swap3A_1050 = vector.shape_cast %or3A_1046 : vector<16xi32> to vector<16xi32>
    tpu.vector_store %arg10[%swap3A_1047], %swap3A_1050 {strides = array<i32>} : memref<256xi32, #tpu.memory_space<vmem>>, vector<16xi32>,
    %shift_right_arithmetic3A_1051 = arith.constant 12 : i32
    %shift_right_arithmetic3A_1052 = vector.broadcast %shift_right_arithmetic3A_1051 : i32 to vector<16xi32>
    %shift_right_arithmetic3A_1053 = arith.shrsi %get3A_1036, %shift_right_arithmetic3A_1052 : vector<16xi32>
    %shift_left3A_1054 = arith.constant 10 : i32
    %shift_left3A_1055 = vector.broadcast %shift_left3A_1054 : i32 to vector<16xi32>
    %shift_left3A_1056 = arith.shli %shift_right_arithmetic3A_1053, %shift_left3A_1055 : vector<16xi32>
    %and3A_1057 = arith.constant 1023 : i32
    %and3A_1058 = vector.broadcast %and3A_1057 : i32 to vector<16xi32>
    %and3A_1059 = arith.andi %get3A_1036, %and3A_1058 : vector<16xi32>
    %or3A_1060 = arith.ori %shift_left3A_1056, %and3A_1059 : vector<16xi32>
    %swap3A_1061 = arith.constant 224 : index
    %swap3A_1062 = tpu.vector_load %arg11[%swap3A_1061] {strides = array<i32>} : memref<256xi32, #tpu.memory_space<vmem>>, vector<16xi32>,
    %swap3A_1063 = vector.shape_cast %swap3A_1062 : vector<16xi32> to vector<16xi32>
    %swap3A_1064 = vector.shape_cast %or3A_1060 : vector<16xi32> to vector<16xi32>
    tpu.vector_store %arg11[%swap3A_1061], %swap3A_1064 {strides = array<i32>} : memref<256xi32, #tpu.memory_space<vmem>>, vector<16xi32>,
    %get3A_1065 = arith.constant 496 : index
    %get3A_1066 = tpu.vector_load %arg8[%get3A_1065] {strides = array<i32>} : memref<512xi32, #tpu.memory_space<vmem>>, vector<16xi32>,
    %get3A_1067 = vector.shape_cast %get3A_1066 : vector<16xi32> to vector<16xi32>
    %get3A_1068 = arith.constant 496 : index
    %get3A_1069 = tpu.vector_load %arg9[%get3A_1068] {strides = array<i32>} : memref<512xi32, #tpu.memory_space<vmem>>, vector<16xi32>,
    %get3A_1070 = vector.shape_cast %get3A_1069 : vector<16xi32> to vector<16xi32>
    %shift_right_arithmetic3A_1071 = arith.constant 12 : i32
    %shift_right_arithmetic3A_1072 = vector.broadcast %shift_right_arithmetic3A_1071 : i32 to vector<16xi32>
    %shift_right_arithmetic3A_1073 = arith.shrsi %get3A_1067, %shift_right_arithmetic3A_1072 : vector<16xi32>
    %shift_left3A_1074 = arith.constant 10 : i32
    %shift_left3A_1075 = vector.broadcast %shift_left3A_1074 : i32 to vector<16xi32>
    %shift_left3A_1076 = arith.shli %shift_right_arithmetic3A_1073, %shift_left3A_1075 : vector<16xi32>
    %and3A_1077 = arith.constant 1023 : i32
    %and3A_1078 = vector.broadcast %and3A_1077 : i32 to vector<16xi32>
    %and3A_1079 = arith.andi %get3A_1067, %and3A_1078 : vector<16xi32>
    %or3A_1080 = arith.ori %shift_left3A_1076, %and3A_1079 : vector<16xi32>
    %swap3A_1081 = arith.constant 240 : index
    %swap3A_1082 = tpu.vector_load %arg10[%swap3A_1081] {strides = array<i32>} : memref<256xi32, #tpu.memory_space<vmem>>, vector<16xi32>,
    %swap3A_1083 = vector.shape_cast %swap3A_1082 : vector<16xi32> to vector<16xi32>
    %swap3A_1084 = vector.shape_cast %or3A_1080 : vector<16xi32> to vector<16xi32>
    tpu.vector_store %arg10[%swap3A_1081], %swap3A_1084 {strides = array<i32>} : memref<256xi32, #tpu.memory_space<vmem>>, vector<16xi32>,
    %shift_right_arithmetic3A_1085 = arith.constant 12 : i32
    %shift_right_arithmetic3A_1086 = vector.broadcast %shift_right_arithmetic3A_1085 : i32 to vector<16xi32>
    %shift_right_arithmetic3A_1087 = arith.shrsi %get3A_1070, %shift_right_arithmetic3A_1086 : vector<16xi32>
    %shift_left3A_1088 = arith.constant 10 : i32
    %shift_left3A_1089 = vector.broadcast %shift_left3A_1088 : i32 to vector<16xi32>
    %shift_left3A_1090 = arith.shli %shift_right_arithmetic3A_1087, %shift_left3A_1089 : vector<16xi32>
    %and3A_1091 = arith.constant 1023 : i32
    %and3A_1092 = vector.broadcast %and3A_1091 : i32 to vector<16xi32>
    %and3A_1093 = arith.andi %get3A_1070, %and3A_1092 : vector<16xi32>
    %or3A_1094 = arith.ori %shift_left3A_1090, %and3A_1093 : vector<16xi32>
    %swap3A_1095 = arith.constant 240 : index
    %swap3A_1096 = tpu.vector_load %arg11[%swap3A_1095] {strides = array<i32>} : memref<256xi32, #tpu.memory_space<vmem>>, vector<16xi32>,
    %swap3A_1097 = vector.shape_cast %swap3A_1096 : vector<16xi32> to vector<16xi32>
    %swap3A_1098 = vector.shape_cast %or3A_1094 : vector<16xi32> to vector<16xi32>
    tpu.vector_store %arg11[%swap3A_1095], %swap3A_1098 {strides = array<i32>} : memref<256xi32, #tpu.memory_space<vmem>>, vector<16xi32>,
    %dma_start3A_1099 = arith.constant 0 : i32
    %dma_start3A_1100 = arith.constant 0 : i32
    %dma_start3A_1101 = tpu.memref_slice %arg4[%dma_start3A_1099, %dma_start3A_1100] : memref<250880x128xi32, #tpu.memory_space<hbm>> -> memref<250880x128xi32, #tpu.memory_space<hbm>>
    tpu.enqueue_indirect_dma source(%dma_start3A_1101 : memref<250880x128xi32, #tpu.memory_space<hbm>>) target(%arg12 : memref<256x128xi32, #tpu.memory_space<vmem>>) offsets(%arg10 : memref<256xi32, #tpu.memory_space<vmem>>) semaphore(%arg14 : memref<!tpu.dma_semaphore, #tpu.memory_space<semaphore_mem>>)
    %dma_start3A_1102 = arith.constant 0 : i32
    %dma_start3A_1103 = arith.constant 0 : i32
    %dma_start3A_1104 = tpu.memref_slice %arg5[%dma_start3A_1102, %dma_start3A_1103] : memref<250880x128xi32, #tpu.memory_space<hbm>> -> memref<250880x128xi32, #tpu.memory_space<hbm>>
    tpu.enqueue_indirect_dma source(%dma_start3A_1104 : memref<250880x128xi32, #tpu.memory_space<hbm>>) target(%arg13 : memref<256x128xi32, #tpu.memory_space<vmem>>) offsets(%arg11 : memref<256xi32, #tpu.memory_space<vmem>>) semaphore(%arg15 : memref<!tpu.dma_semaphore, #tpu.memory_space<semaphore_mem>>)
    %dma_wait3A_1105 = arith.constant 0 : i32
    %dma_wait3A_1106 = arith.constant 0 : i32
    %dma_wait3A_1107 = tpu.memref_slice %arg4[%dma_wait3A_1105, %dma_wait3A_1106] : memref<250880x128xi32, #tpu.memory_space<hbm>> -> memref<250880x128xi32, #tpu.memory_space<hbm>>
    tpu.wait_indirect_dma semaphore(%arg14 : memref<!tpu.dma_semaphore, #tpu.memory_space<semaphore_mem>>) src(%dma_wait3A_1107 : memref<250880x128xi32, #tpu.memory_space<hbm>>) dst(%arg12 : memref<256x128xi32, #tpu.memory_space<vmem>>)
    %dma_wait3A_1108 = arith.constant 0 : i32
    %dma_wait3A_1109 = arith.constant 0 : i32
    %dma_wait3A_1110 = tpu.memref_slice %arg5[%dma_wait3A_1108, %dma_wait3A_1109] : memref<250880x128xi32, #tpu.memory_space<hbm>> -> memref<250880x128xi32, #tpu.memory_space<hbm>>
    tpu.wait_indirect_dma semaphore(%arg15 : memref<!tpu.dma_semaphore, #tpu.memory_space<semaphore_mem>>) src(%dma_wait3A_1110 : memref<250880x128xi32, #tpu.memory_space<hbm>>) dst(%arg13 : memref<256x128xi32, #tpu.memory_space<vmem>>)
    %add3A_1111 = arith.constant 256 : i32
    %add3A_1112 = arith.addi %mul3A_2, %add3A_1111 : i32
    "tpu.region"() ({
      %run_scoped3A = tpu.sem_alloc : memref<!tpu.dma_semaphore, #tpu.memory_space<semaphore_mem>>
      %dma_start3A_1115 = arith.constant 0 : i32
      %dma_start3A_1116 = tpu.memref_slice %arg6[%add3A_1112, %dma_start3A_1115] : memref<16384x128xi32, #tpu.memory_space<hbm>> -> memref<256x128xi32, #tpu.memory_space<hbm>>
      %dma_start3A_1117 = arith.constant 0 : i32
      %dma_start3A_1118 = tpu.memref_slice %arg6[%add3A_1112, %dma_start3A_1117] : memref<16384x128xi32, #tpu.memory_space<hbm>> -> memref<256x128xi32, #tpu.memory_space<hbm>>
      tpu.enqueue_dma source(%arg12 : memref<256x128xi32, #tpu.memory_space<vmem>>) target(%dma_start3A_1118 : memref<256x128xi32, #tpu.memory_space<hbm>>) target_semaphore(%run_scoped3A : memref<!tpu.dma_semaphore, #tpu.memory_space<semaphore_mem>>)
      %dma_wait3A_1119 = arith.constant 0 : i32
      %dma_wait3A_1120 = tpu.memref_slice %arg6[%add3A_1112, %dma_wait3A_1119] : memref<16384x128xi32, #tpu.memory_space<hbm>> -> memref<256x128xi32, #tpu.memory_space<hbm>>
      %dma_wait3A_1121 = arith.constant 0 : i32
      %dma_wait3A_1122 = tpu.memref_slice %arg6[%add3A_1112, %dma_wait3A_1121] : memref<16384x128xi32, #tpu.memory_space<hbm>> -> memref<256x128xi32, #tpu.memory_space<hbm>>
      tpu.wait_dma2 semaphore(%run_scoped3A : memref<!tpu.dma_semaphore, #tpu.memory_space<semaphore_mem>>) src(%arg12 : memref<256x128xi32, #tpu.memory_space<vmem>>) dst(%dma_wait3A_1122 : memref<256x128xi32, #tpu.memory_space<hbm>>)
      tpu.yield
    }) : () -> ()
    %add3A_1113 = arith.constant 256 : i32
    %add3A_1114 = arith.addi %mul3A_2, %add3A_1113 : i32
    "tpu.region"() ({
      %run_scoped3A = tpu.sem_alloc : memref<!tpu.dma_semaphore, #tpu.memory_space<semaphore_mem>>
      %dma_start3A_1115 = arith.constant 0 : i32
      %dma_start3A_1116 = tpu.memref_slice %arg7[%add3A_1114, %dma_start3A_1115] : memref<16384x128xi32, #tpu.memory_space<hbm>> -> memref<256x128xi32, #tpu.memory_space<hbm>>
      %dma_start3A_1117 = arith.constant 0 : i32
      %dma_start3A_1118 = tpu.memref_slice %arg7[%add3A_1114, %dma_start3A_1117] : memref<16384x128xi32, #tpu.memory_space<hbm>> -> memref<256x128xi32, #tpu.memory_space<hbm>>
      tpu.enqueue_dma source(%arg13 : memref<256x128xi32, #tpu.memory_space<vmem>>) target(%dma_start3A_1118 : memref<256x128xi32, #tpu.memory_space<hbm>>) target_semaphore(%run_scoped3A : memref<!tpu.dma_semaphore, #tpu.memory_space<semaphore_mem>>)
      %dma_wait3A_1119 = arith.constant 0 : i32
      %dma_wait3A_1120 = tpu.memref_slice %arg7[%add3A_1114, %dma_wait3A_1119] : memref<16384x128xi32, #tpu.memory_space<hbm>> -> memref<256x128xi32, #tpu.memory_space<hbm>>
      %dma_wait3A_1121 = arith.constant 0 : i32
      %dma_wait3A_1122 = tpu.memref_slice %arg7[%add3A_1114, %dma_wait3A_1121] : memref<16384x128xi32, #tpu.memory_space<hbm>> -> memref<256x128xi32, #tpu.memory_space<hbm>>
      tpu.wait_dma2 semaphore(%run_scoped3A : memref<!tpu.dma_semaphore, #tpu.memory_space<semaphore_mem>>) src(%arg13 : memref<256x128xi32, #tpu.memory_space<vmem>>) dst(%dma_wait3A_1122 : memref<256x128xi32, #tpu.memory_space<hbm>>)
      tpu.yield
    }) : () -> ()
    return
  }
}

module attributes {stable_mosaic.version = 14 : i64} {
  func.func @_pack_block(%arg0: i32, %arg1: memref<64x4096xf32, #tpu.memory_space<vmem>>, %arg2: memref<64x4096xf32, #tpu.memory_space<vmem>>, %arg3: memref<1024x128xi32, #tpu.memory_space<vmem>>, %arg4: memref<1024x128xi32, #tpu.memory_space<vmem>>) attributes {dimension_semantics = [#tpu.dimension_semantics<arbitrary>], iteration_bounds = array<i64: 245>, scalar_prefetch = 0 : i64, scratch_operands = 0 : i64, tpu.core_type = #tpu.core_type<tc>, window_params = [{transform_indices = @transform_0, window_bounds = array<i64: 64, 4096>}, {transform_indices = @transform_1, window_bounds = array<i64: 64, 4096>}, {transform_indices = @transform_2, window_bounds = array<i64: 1024, 128>}, {transform_indices = @transform_3, window_bounds = array<i64: 1024, 128>}]} {
    %get3A = arith.constant 0 : index
    %get3A_0 = arith.constant 0 : index
    %get3A_1 = vector.load %arg1[%get3A, %get3A_0] : memref<64x4096xf32, #tpu.memory_space<vmem>>, vector<64x4096xf32>
    %bitcast_convert_type3A = tpu.bitcast %get3A_1 : vector<64x4096xf32> -> vector<64x4096xi32>
    %slice3A = vector.extract_strided_slice %bitcast_convert_type3A {offsets = [0, 0], sizes = [32, 4096], strides = [1, 1]} : vector<64x4096xi32> to vector<32x4096xi32>
    %shift_right_logical3A = arith.constant 16 : i32
    %shift_right_logical3A_2 = vector.broadcast %shift_right_logical3A : i32 to vector<32x4096xi32>
    %shift_right_logical3A_3 = arith.shrui %slice3A, %shift_right_logical3A_2 : vector<32x4096xi32>
    %slice3A_4 = vector.extract_strided_slice %bitcast_convert_type3A {offsets = [32, 0], sizes = [32, 4096], strides = [1, 1]} : vector<64x4096xi32> to vector<32x4096xi32>
    %and3A = arith.constant -65536 : i32
    %and3A_5 = vector.broadcast %and3A : i32 to vector<32x4096xi32>
    %and3A_6 = arith.andi %slice3A_4, %and3A_5 : vector<32x4096xi32>
    %or3A = arith.ori %shift_right_logical3A_3, %and3A_6 : vector<32x4096xi32>
    %transpose3A = tpu.transpose %or3A, [1, 0] : vector<32x4096xi32> -> vector<4096x32xi32>
    %slice3A_7 = vector.extract_strided_slice %transpose3A {offsets = [0, 0], sizes = [1024, 32], strides = [1, 1]} : vector<4096x32xi32> to vector<1024x32xi32>
    %slice3A_8 = vector.extract_strided_slice %transpose3A {offsets = [1024, 0], sizes = [1024, 32], strides = [1, 1]} : vector<4096x32xi32> to vector<1024x32xi32>
    %slice3A_9 = vector.extract_strided_slice %transpose3A {offsets = [2048, 0], sizes = [1024, 32], strides = [1, 1]} : vector<4096x32xi32> to vector<1024x32xi32>
    %slice3A_10 = vector.extract_strided_slice %transpose3A {offsets = [3072, 0], sizes = [1024, 32], strides = [1, 1]} : vector<4096x32xi32> to vector<1024x32xi32>
    %concatenate3A = tpu.concatenate %slice3A_7, %slice3A_8, %slice3A_9, %slice3A_10 in 1 : vector<1024x32xi32>, vector<1024x32xi32>, vector<1024x32xi32>, vector<1024x32xi32> -> vector<1024x128xi32>
    %swap3A = arith.constant 0 : index
    %swap3A_11 = arith.constant 0 : index
    %swap3A_12 = vector.load %arg3[%swap3A, %swap3A_11] : memref<1024x128xi32, #tpu.memory_space<vmem>>, vector<1024x128xi32>
    tpu.vector_store %arg3[%swap3A, %swap3A_11], %concatenate3A {strides = array<i32>} : memref<1024x128xi32, #tpu.memory_space<vmem>>, vector<1024x128xi32>,
    %get3A_13 = arith.constant 0 : index
    %get3A_14 = arith.constant 0 : index
    %get3A_15 = vector.load %arg2[%get3A_13, %get3A_14] : memref<64x4096xf32, #tpu.memory_space<vmem>>, vector<64x4096xf32>
    %bitcast_convert_type3A_16 = tpu.bitcast %get3A_15 : vector<64x4096xf32> -> vector<64x4096xi32>
    %slice3A_17 = vector.extract_strided_slice %bitcast_convert_type3A_16 {offsets = [0, 0], sizes = [32, 4096], strides = [1, 1]} : vector<64x4096xi32> to vector<32x4096xi32>
    %shift_right_logical3A_18 = arith.constant 16 : i32
    %shift_right_logical3A_19 = vector.broadcast %shift_right_logical3A_18 : i32 to vector<32x4096xi32>
    %shift_right_logical3A_20 = arith.shrui %slice3A_17, %shift_right_logical3A_19 : vector<32x4096xi32>
    %slice3A_21 = vector.extract_strided_slice %bitcast_convert_type3A_16 {offsets = [32, 0], sizes = [32, 4096], strides = [1, 1]} : vector<64x4096xi32> to vector<32x4096xi32>
    %and3A_22 = arith.constant -65536 : i32
    %and3A_23 = vector.broadcast %and3A_22 : i32 to vector<32x4096xi32>
    %and3A_24 = arith.andi %slice3A_21, %and3A_23 : vector<32x4096xi32>
    %or3A_25 = arith.ori %shift_right_logical3A_20, %and3A_24 : vector<32x4096xi32>
    %transpose3A_26 = tpu.transpose %or3A_25, [1, 0] : vector<32x4096xi32> -> vector<4096x32xi32>
    %slice3A_27 = vector.extract_strided_slice %transpose3A_26 {offsets = [0, 0], sizes = [1024, 32], strides = [1, 1]} : vector<4096x32xi32> to vector<1024x32xi32>
    %slice3A_28 = vector.extract_strided_slice %transpose3A_26 {offsets = [1024, 0], sizes = [1024, 32], strides = [1, 1]} : vector<4096x32xi32> to vector<1024x32xi32>
    %slice3A_29 = vector.extract_strided_slice %transpose3A_26 {offsets = [2048, 0], sizes = [1024, 32], strides = [1, 1]} : vector<4096x32xi32> to vector<1024x32xi32>
    %slice3A_30 = vector.extract_strided_slice %transpose3A_26 {offsets = [3072, 0], sizes = [1024, 32], strides = [1, 1]} : vector<4096x32xi32> to vector<1024x32xi32>
    %concatenate3A_31 = tpu.concatenate %slice3A_27, %slice3A_28, %slice3A_29, %slice3A_30 in 1 : vector<1024x32xi32>, vector<1024x32xi32>, vector<1024x32xi32>, vector<1024x32xi32> -> vector<1024x128xi32>
    %swap3A_32 = arith.constant 0 : index
    %swap3A_33 = arith.constant 0 : index
    %swap3A_34 = vector.load %arg4[%swap3A_32, %swap3A_33] : memref<1024x128xi32, #tpu.memory_space<vmem>>, vector<1024x128xi32>
    tpu.vector_store %arg4[%swap3A_32, %swap3A_33], %concatenate3A_31 {strides = array<i32>} : memref<1024x128xi32, #tpu.memory_space<vmem>>, vector<1024x128xi32>,
    return
  }
  func.func @transform_0(%arg0: i32) -> (i32, i32) {
    %c0_i32 = arith.constant 0 : i32
    %c0_i32_0 = arith.constant 0 : i32
    return %c0_i32, %arg0 : i32, i32
  }
  func.func @transform_1(%arg0: i32) -> (i32, i32) {
    %c0_i32 = arith.constant 0 : i32
    %c0_i32_0 = arith.constant 0 : i32
    return %c0_i32, %arg0 : i32, i32
  }
  func.func @transform_2(%arg0: i32) -> (i32, i32) {
    %c0_i32 = arith.constant 0 : i32
    %c0_i32_0 = arith.constant 0 : i32
    return %arg0, %c0_i32 : i32, i32
  }
  func.func @transform_3(%arg0: i32) -> (i32, i32) {
    %c0_i32 = arith.constant 0 : i32
    %c0_i32_0 = arith.constant 0 : i32
    return %arg0, %c0_i32 : i32, i32
  }
}

module attributes {stable_mosaic.version = 14 : i64} {
  func.func @_mlp_block(%arg0: i32, %arg1: memref<2048x128xi32, #tpu.memory_space<vmem>>, %arg2: memref<2048x128xi32, #tpu.memory_space<vmem>>, %arg3: memref<2048x8xf32, #tpu.memory_space<vmem>>, %arg4: memref<2048x8xf32, #tpu.memory_space<vmem>>, %arg5: memref<128x500xf32, #tpu.memory_space<vmem>>, %arg6: memref<1x500xf32, #tpu.memory_space<vmem>>, %arg7: memref<1x500xf32, #tpu.memory_space<vmem>>, %arg8: memref<1x500xf32, #tpu.memory_space<vmem>>, %arg9: memref<500x250xf32, #tpu.memory_space<vmem>>, %arg10: memref<1x250xf32, #tpu.memory_space<vmem>>, %arg11: memref<1x250xf32, #tpu.memory_space<vmem>>, %arg12: memref<1x250xf32, #tpu.memory_space<vmem>>, %arg13: memref<1x250xf32, #tpu.memory_space<vmem>>, %arg14: memref<1x1xf32, #tpu.memory_space<vmem>>, %arg15: memref<2048x1xf32, #tpu.memory_space<vmem>>) attributes {dimension_semantics = [#tpu.dimension_semantics<arbitrary>], iteration_bounds = array<i64: 8>, scalar_prefetch = 0 : i64, scratch_operands = 0 : i64, tpu.core_type = #tpu.core_type<tc>, window_params = [{transform_indices = @transform_0, window_bounds = array<i64: 2048, 128>}, {transform_indices = @transform_1, window_bounds = array<i64: 2048, 128>}, {transform_indices = @transform_2, window_bounds = array<i64: 2048, 8>}, {transform_indices = @transform_3, window_bounds = array<i64: 2048, 8>}, {pipeline_mode = #tpu.pipeline_mode<synchronous>, transform_indices = @transform_4, window_bounds = array<i64: 128, 500>}, {pipeline_mode = #tpu.pipeline_mode<synchronous>, transform_indices = @transform_5, window_bounds = array<i64: 1, 500>}, {pipeline_mode = #tpu.pipeline_mode<synchronous>, transform_indices = @transform_6, window_bounds = array<i64: 1, 500>}, {pipeline_mode = #tpu.pipeline_mode<synchronous>, transform_indices = @transform_7, window_bounds = array<i64: 1, 500>}, {pipeline_mode = #tpu.pipeline_mode<synchronous>, transform_indices = @transform_8, window_bounds = array<i64: 500, 250>}, {pipeline_mode = #tpu.pipeline_mode<synchronous>, transform_indices = @transform_9, window_bounds = array<i64: 1, 250>}, {pipeline_mode = #tpu.pipeline_mode<synchronous>, transform_indices = @transform_10, window_bounds = array<i64: 1, 250>}, {pipeline_mode = #tpu.pipeline_mode<synchronous>, transform_indices = @transform_11, window_bounds = array<i64: 1, 250>}, {pipeline_mode = #tpu.pipeline_mode<synchronous>, transform_indices = @transform_12, window_bounds = array<i64: 1, 250>}, {pipeline_mode = #tpu.pipeline_mode<synchronous>, transform_indices = @transform_13, window_bounds = array<i64: 1, 1>}, {transform_indices = @transform_14, window_bounds = array<i64: 2048, 1>}]} {
    %get3A = arith.constant 0 : index
    %get3A_0 = arith.constant 0 : index
    %get3A_1 = vector.load %arg1[%get3A, %get3A_0] : memref<2048x128xi32, #tpu.memory_space<vmem>>, vector<2048x128xi32>
    %get3A_2 = arith.constant 0 : index
    %get3A_3 = arith.constant 0 : index
    %get3A_4 = vector.load %arg3[%get3A_2, %get3A_3] : memref<2048x8xf32, #tpu.memory_space<vmem>>, vector<2048x8xf32>
    %slice3A = vector.extract_strided_slice %get3A_4 {offsets = [0, 0], sizes = [2048, 1], strides = [1, 1]} : vector<2048x8xf32> to vector<2048x1xf32>
    %lt3A = arith.constant 5.000000e-01 : f32
    %lt3A_5 = vector.broadcast %lt3A : f32 to vector<2048x1xf32>
    %lt3A_6 = arith.cmpf olt, %slice3A, %lt3A_5 : vector<2048x1xf32>
    %slice3A_7 = vector.extract_strided_slice %get3A_1 {offsets = [0, 0], sizes = [2048, 32], strides = [1, 1]} : vector<2048x128xi32> to vector<2048x32xi32>
    %slice3A_8 = vector.extract_strided_slice %get3A_1 {offsets = [0, 32], sizes = [2048, 32], strides = [1, 1]} : vector<2048x128xi32> to vector<2048x32xi32>
    %broadcast_in_dim3A = vector.shape_cast %lt3A_6 : vector<2048x1xi1> to vector<2048x1xi1>
    %broadcast_in_dim3A_9 = vector.broadcast %broadcast_in_dim3A : vector<2048x1xi1> to vector<2048x32xi1>
    %select_n3A = arith.select %broadcast_in_dim3A_9, %slice3A_7, %slice3A_8 : vector<2048x32xi1>, vector<2048x32xi32>
    %lt3A_10 = arith.constant 2.500000e+00 : f32
    %lt3A_11 = vector.broadcast %lt3A_10 : f32 to vector<2048x1xf32>
    %lt3A_12 = arith.cmpf olt, %slice3A, %lt3A_11 : vector<2048x1xf32>
    %slice3A_13 = vector.extract_strided_slice %get3A_1 {offsets = [0, 64], sizes = [2048, 32], strides = [1, 1]} : vector<2048x128xi32> to vector<2048x32xi32>
    %slice3A_14 = vector.extract_strided_slice %get3A_1 {offsets = [0, 96], sizes = [2048, 32], strides = [1, 1]} : vector<2048x128xi32> to vector<2048x32xi32>
    %broadcast_in_dim3A_15 = vector.shape_cast %lt3A_12 : vector<2048x1xi1> to vector<2048x1xi1>
    %broadcast_in_dim3A_16 = vector.broadcast %broadcast_in_dim3A_15 : vector<2048x1xi1> to vector<2048x32xi1>
    %select_n3A_17 = arith.select %broadcast_in_dim3A_16, %slice3A_13, %slice3A_14 : vector<2048x32xi1>, vector<2048x32xi32>
    %lt3A_18 = arith.constant 1.500000e+00 : f32
    %lt3A_19 = vector.broadcast %lt3A_18 : f32 to vector<2048x1xf32>
    %lt3A_20 = arith.cmpf olt, %slice3A, %lt3A_19 : vector<2048x1xf32>
    %broadcast_in_dim3A_21 = vector.shape_cast %lt3A_20 : vector<2048x1xi1> to vector<2048x1xi1>
    %broadcast_in_dim3A_22 = vector.broadcast %broadcast_in_dim3A_21 : vector<2048x1xi1> to vector<2048x32xi1>
    %select_n3A_23 = arith.select %broadcast_in_dim3A_22, %select_n3A, %select_n3A_17 : vector<2048x32xi1>, vector<2048x32xi32>
    %and3A = arith.constant 65535 : i32
    %and3A_24 = vector.broadcast %and3A : i32 to vector<2048x32xi32>
    %and3A_25 = arith.andi %select_n3A_23, %and3A_24 : vector<2048x32xi32>
    %shift_left3A = arith.constant 16 : i32
    %shift_left3A_26 = vector.broadcast %shift_left3A : i32 to vector<2048x32xi32>
    %shift_left3A_27 = arith.shli %and3A_25, %shift_left3A_26 : vector<2048x32xi32>
    %bitcast_convert_type3A = tpu.bitcast %shift_left3A_27 : vector<2048x32xi32> -> vector<2048x32xf32>
    %and3A_28 = arith.constant -65536 : i32
    %and3A_29 = vector.broadcast %and3A_28 : i32 to vector<2048x32xi32>
    %and3A_30 = arith.andi %select_n3A_23, %and3A_29 : vector<2048x32xi32>
    %bitcast_convert_type3A_31 = tpu.bitcast %and3A_30 : vector<2048x32xi32> -> vector<2048x32xf32>
    %concatenate3A = tpu.concatenate %bitcast_convert_type3A, %bitcast_convert_type3A_31 in 1 : vector<2048x32xf32>, vector<2048x32xf32> -> vector<2048x64xf32>
    %get3A_32 = arith.constant 0 : index
    %get3A_33 = arith.constant 0 : index
    %get3A_34 = vector.load %arg2[%get3A_32, %get3A_33] : memref<2048x128xi32, #tpu.memory_space<vmem>>, vector<2048x128xi32>
    %get3A_35 = arith.constant 0 : index
    %get3A_36 = arith.constant 0 : index
    %get3A_37 = vector.load %arg4[%get3A_35, %get3A_36] : memref<2048x8xf32, #tpu.memory_space<vmem>>, vector<2048x8xf32>
    %slice3A_38 = vector.extract_strided_slice %get3A_37 {offsets = [0, 0], sizes = [2048, 1], strides = [1, 1]} : vector<2048x8xf32> to vector<2048x1xf32>
    %lt3A_39 = arith.constant 5.000000e-01 : f32
    %lt3A_40 = vector.broadcast %lt3A_39 : f32 to vector<2048x1xf32>
    %lt3A_41 = arith.cmpf olt, %slice3A_38, %lt3A_40 : vector<2048x1xf32>
    %slice3A_42 = vector.extract_strided_slice %get3A_34 {offsets = [0, 0], sizes = [2048, 32], strides = [1, 1]} : vector<2048x128xi32> to vector<2048x32xi32>
    %slice3A_43 = vector.extract_strided_slice %get3A_34 {offsets = [0, 32], sizes = [2048, 32], strides = [1, 1]} : vector<2048x128xi32> to vector<2048x32xi32>
    %broadcast_in_dim3A_44 = vector.shape_cast %lt3A_41 : vector<2048x1xi1> to vector<2048x1xi1>
    %broadcast_in_dim3A_45 = vector.broadcast %broadcast_in_dim3A_44 : vector<2048x1xi1> to vector<2048x32xi1>
    %select_n3A_46 = arith.select %broadcast_in_dim3A_45, %slice3A_42, %slice3A_43 : vector<2048x32xi1>, vector<2048x32xi32>
    %lt3A_47 = arith.constant 2.500000e+00 : f32
    %lt3A_48 = vector.broadcast %lt3A_47 : f32 to vector<2048x1xf32>
    %lt3A_49 = arith.cmpf olt, %slice3A_38, %lt3A_48 : vector<2048x1xf32>
    %slice3A_50 = vector.extract_strided_slice %get3A_34 {offsets = [0, 64], sizes = [2048, 32], strides = [1, 1]} : vector<2048x128xi32> to vector<2048x32xi32>
    %slice3A_51 = vector.extract_strided_slice %get3A_34 {offsets = [0, 96], sizes = [2048, 32], strides = [1, 1]} : vector<2048x128xi32> to vector<2048x32xi32>
    %broadcast_in_dim3A_52 = vector.shape_cast %lt3A_49 : vector<2048x1xi1> to vector<2048x1xi1>
    %broadcast_in_dim3A_53 = vector.broadcast %broadcast_in_dim3A_52 : vector<2048x1xi1> to vector<2048x32xi1>
    %select_n3A_54 = arith.select %broadcast_in_dim3A_53, %slice3A_50, %slice3A_51 : vector<2048x32xi1>, vector<2048x32xi32>
    %lt3A_55 = arith.constant 1.500000e+00 : f32
    %lt3A_56 = vector.broadcast %lt3A_55 : f32 to vector<2048x1xf32>
    %lt3A_57 = arith.cmpf olt, %slice3A_38, %lt3A_56 : vector<2048x1xf32>
    %broadcast_in_dim3A_58 = vector.shape_cast %lt3A_57 : vector<2048x1xi1> to vector<2048x1xi1>
    %broadcast_in_dim3A_59 = vector.broadcast %broadcast_in_dim3A_58 : vector<2048x1xi1> to vector<2048x32xi1>
    %select_n3A_60 = arith.select %broadcast_in_dim3A_59, %select_n3A_46, %select_n3A_54 : vector<2048x32xi1>, vector<2048x32xi32>
    %and3A_61 = arith.constant 65535 : i32
    %and3A_62 = vector.broadcast %and3A_61 : i32 to vector<2048x32xi32>
    %and3A_63 = arith.andi %select_n3A_60, %and3A_62 : vector<2048x32xi32>
    %shift_left3A_64 = arith.constant 16 : i32
    %shift_left3A_65 = vector.broadcast %shift_left3A_64 : i32 to vector<2048x32xi32>
    %shift_left3A_66 = arith.shli %and3A_63, %shift_left3A_65 : vector<2048x32xi32>
    %bitcast_convert_type3A_67 = tpu.bitcast %shift_left3A_66 : vector<2048x32xi32> -> vector<2048x32xf32>
    %and3A_68 = arith.constant -65536 : i32
    %and3A_69 = vector.broadcast %and3A_68 : i32 to vector<2048x32xi32>
    %and3A_70 = arith.andi %select_n3A_60, %and3A_69 : vector<2048x32xi32>
    %bitcast_convert_type3A_71 = tpu.bitcast %and3A_70 : vector<2048x32xi32> -> vector<2048x32xf32>
    %concatenate3A_72 = tpu.concatenate %bitcast_convert_type3A_67, %bitcast_convert_type3A_71 in 1 : vector<2048x32xf32>, vector<2048x32xf32> -> vector<2048x64xf32>
    %concatenate3A_73 = tpu.concatenate %concatenate3A, %concatenate3A_72 in 1 : vector<2048x64xf32>, vector<2048x64xf32> -> vector<2048x128xf32>
    %get3A_74 = arith.constant 0 : index
    %get3A_75 = arith.constant 0 : index
    %get3A_76 = vector.load %arg5[%get3A_74, %get3A_75] : memref<128x500xf32, #tpu.memory_space<vmem>>, vector<128x500xf32>
    %dot_general3A = arith.constant dense<0.000000e+00> : vector<2048x500xf32>
    %dot_general3A_77 = tpu.matmul %concatenate3A_73, %get3A_76, %dot_general3A {dimension_numbers = #tpu.dot_dimension_numbers<[1], [0], [0], [1], [0, 0, 1, 1], [], []>, transpose_lhs_hint = false} : vector<2048x128xf32>, vector<128x500xf32>, vector<2048x500xf32> -> vector<2048x500xf32>
    %get3A_78 = arith.constant 0 : index
    %get3A_79 = arith.constant 0 : index
    %get3A_80 = vector.load %arg6[%get3A_78, %get3A_79] : memref<1x500xf32, #tpu.memory_space<vmem>>, vector<1x500xf32>
    %add3A = vector.broadcast %get3A_80 : vector<1x500xf32> to vector<2048x500xf32>
    %add3A_81 = arith.addf %dot_general3A_77, %add3A : vector<2048x500xf32>
    %reduce_sum3A = arith.constant dense<0.000000e+00> : vector<2048xf32>
    %reduce_sum3A_82 = vector.multi_reduction <add>, %add3A_81, %reduce_sum3A [1] : vector<2048x500xf32> to vector<2048xf32>
    %broadcast_in_dim3A_83 = vector.shape_cast %reduce_sum3A_82 : vector<2048xf32> to vector<2048x1xf32>
    %div3A = arith.constant 5.000000e+02 : f32
    %div3A_84 = vector.broadcast %div3A : f32 to vector<2048x1xf32>
    %div3A_85 = arith.divf %broadcast_in_dim3A_83, %div3A_84 : vector<2048x1xf32>
    %sub3A = vector.broadcast %div3A_85 : vector<2048x1xf32> to vector<2048x500xf32>
    %sub3A_86 = arith.subf %add3A_81, %sub3A : vector<2048x500xf32>
    %integer_pow3A = arith.mulf %sub3A_86, %sub3A_86 : vector<2048x500xf32>
    %reduce_sum3A_87 = arith.constant dense<0.000000e+00> : vector<2048xf32>
    %reduce_sum3A_88 = vector.multi_reduction <add>, %integer_pow3A, %reduce_sum3A_87 [1] : vector<2048x500xf32> to vector<2048xf32>
    %broadcast_in_dim3A_89 = vector.shape_cast %reduce_sum3A_88 : vector<2048xf32> to vector<2048x1xf32>
    %div3A_90 = arith.constant 5.000000e+02 : f32
    %div3A_91 = vector.broadcast %div3A_90 : f32 to vector<2048x1xf32>
    %div3A_92 = arith.divf %broadcast_in_dim3A_89, %div3A_91 : vector<2048x1xf32>
    %sub3A_93 = vector.broadcast %div3A_85 : vector<2048x1xf32> to vector<2048x500xf32>
    %sub3A_94 = arith.subf %add3A_81, %sub3A_93 : vector<2048x500xf32>
    %add3A_95 = arith.constant 9.99999974E-6 : f32
    %add3A_96 = vector.broadcast %add3A_95 : f32 to vector<2048x1xf32>
    %add3A_97 = arith.addf %div3A_92, %add3A_96 : vector<2048x1xf32>
    %rsqrt3A = math.rsqrt %add3A_97 : vector<2048x1xf32>
    %mul3A = vector.broadcast %rsqrt3A : vector<2048x1xf32> to vector<2048x500xf32>
    %mul3A_98 = arith.mulf %sub3A_94, %mul3A : vector<2048x500xf32>
    %get3A_99 = arith.constant 0 : index
    %get3A_100 = arith.constant 0 : index
    %get3A_101 = vector.load %arg7[%get3A_99, %get3A_100] : memref<1x500xf32, #tpu.memory_space<vmem>>, vector<1x500xf32>
    %mul3A_102 = vector.broadcast %get3A_101 : vector<1x500xf32> to vector<2048x500xf32>
    %mul3A_103 = arith.mulf %mul3A_98, %mul3A_102 : vector<2048x500xf32>
    %get3A_104 = arith.constant 0 : index
    %get3A_105 = arith.constant 0 : index
    %get3A_106 = vector.load %arg8[%get3A_104, %get3A_105] : memref<1x500xf32, #tpu.memory_space<vmem>>, vector<1x500xf32>
    %add3A_107 = vector.broadcast %get3A_106 : vector<1x500xf32> to vector<2048x500xf32>
    %add3A_108 = arith.addf %mul3A_103, %add3A_107 : vector<2048x500xf32>
    %max3A = arith.constant 0.000000e+00 : f32
    %max3A_109 = vector.broadcast %max3A : f32 to vector<2048x500xf32>
    %max3A_110 = arith.maximumf %add3A_108, %max3A_109 : vector<2048x500xf32>
    %get3A_111 = arith.constant 0 : index
    %get3A_112 = arith.constant 0 : index
    %get3A_113 = vector.load %arg9[%get3A_111, %get3A_112] : memref<500x250xf32, #tpu.memory_space<vmem>>, vector<500x250xf32>
    %dot_general3A_114 = arith.constant dense<0.000000e+00> : vector<2048x250xf32>
    %dot_general3A_115 = tpu.matmul %max3A_110, %get3A_113, %dot_general3A_114 {dimension_numbers = #tpu.dot_dimension_numbers<[1], [0], [0], [1], [0, 0, 1, 1], [], []>, transpose_lhs_hint = false} : vector<2048x500xf32>, vector<500x250xf32>, vector<2048x250xf32> -> vector<2048x250xf32>
    %get3A_116 = arith.constant 0 : index
    %get3A_117 = arith.constant 0 : index
    %get3A_118 = vector.load %arg10[%get3A_116, %get3A_117] : memref<1x250xf32, #tpu.memory_space<vmem>>, vector<1x250xf32>
    %add3A_119 = vector.broadcast %get3A_118 : vector<1x250xf32> to vector<2048x250xf32>
    %add3A_120 = arith.addf %dot_general3A_115, %add3A_119 : vector<2048x250xf32>
    %reduce_sum3A_121 = arith.constant dense<0.000000e+00> : vector<2048xf32>
    %reduce_sum3A_122 = vector.multi_reduction <add>, %add3A_120, %reduce_sum3A_121 [1] : vector<2048x250xf32> to vector<2048xf32>
    %broadcast_in_dim3A_123 = vector.shape_cast %reduce_sum3A_122 : vector<2048xf32> to vector<2048x1xf32>
    %div3A_124 = arith.constant 2.500000e+02 : f32
    %div3A_125 = vector.broadcast %div3A_124 : f32 to vector<2048x1xf32>
    %div3A_126 = arith.divf %broadcast_in_dim3A_123, %div3A_125 : vector<2048x1xf32>
    %sub3A_127 = vector.broadcast %div3A_126 : vector<2048x1xf32> to vector<2048x250xf32>
    %sub3A_128 = arith.subf %add3A_120, %sub3A_127 : vector<2048x250xf32>
    %integer_pow3A_129 = arith.mulf %sub3A_128, %sub3A_128 : vector<2048x250xf32>
    %reduce_sum3A_130 = arith.constant dense<0.000000e+00> : vector<2048xf32>
    %reduce_sum3A_131 = vector.multi_reduction <add>, %integer_pow3A_129, %reduce_sum3A_130 [1] : vector<2048x250xf32> to vector<2048xf32>
    %broadcast_in_dim3A_132 = vector.shape_cast %reduce_sum3A_131 : vector<2048xf32> to vector<2048x1xf32>
    %div3A_133 = arith.constant 2.500000e+02 : f32
    %div3A_134 = vector.broadcast %div3A_133 : f32 to vector<2048x1xf32>
    %div3A_135 = arith.divf %broadcast_in_dim3A_132, %div3A_134 : vector<2048x1xf32>
    %sub3A_136 = vector.broadcast %div3A_126 : vector<2048x1xf32> to vector<2048x250xf32>
    %sub3A_137 = arith.subf %add3A_120, %sub3A_136 : vector<2048x250xf32>
    %add3A_138 = arith.constant 9.99999974E-6 : f32
    %add3A_139 = vector.broadcast %add3A_138 : f32 to vector<2048x1xf32>
    %add3A_140 = arith.addf %div3A_135, %add3A_139 : vector<2048x1xf32>
    %rsqrt3A_141 = math.rsqrt %add3A_140 : vector<2048x1xf32>
    %mul3A_142 = vector.broadcast %rsqrt3A_141 : vector<2048x1xf32> to vector<2048x250xf32>
    %mul3A_143 = arith.mulf %sub3A_137, %mul3A_142 : vector<2048x250xf32>
    %get3A_144 = arith.constant 0 : index
    %get3A_145 = arith.constant 0 : index
    %get3A_146 = vector.load %arg11[%get3A_144, %get3A_145] : memref<1x250xf32, #tpu.memory_space<vmem>>, vector<1x250xf32>
    %mul3A_147 = vector.broadcast %get3A_146 : vector<1x250xf32> to vector<2048x250xf32>
    %mul3A_148 = arith.mulf %mul3A_143, %mul3A_147 : vector<2048x250xf32>
    %get3A_149 = arith.constant 0 : index
    %get3A_150 = arith.constant 0 : index
    %get3A_151 = vector.load %arg12[%get3A_149, %get3A_150] : memref<1x250xf32, #tpu.memory_space<vmem>>, vector<1x250xf32>
    %add3A_152 = vector.broadcast %get3A_151 : vector<1x250xf32> to vector<2048x250xf32>
    %add3A_153 = arith.addf %mul3A_148, %add3A_152 : vector<2048x250xf32>
    %max3A_154 = arith.constant 0.000000e+00 : f32
    %max3A_155 = vector.broadcast %max3A_154 : f32 to vector<2048x250xf32>
    %max3A_156 = arith.maximumf %add3A_153, %max3A_155 : vector<2048x250xf32>
    %get3A_157 = arith.constant 0 : index
    %get3A_158 = arith.constant 0 : index
    %get3A_159 = vector.load %arg13[%get3A_157, %get3A_158] : memref<1x250xf32, #tpu.memory_space<vmem>>, vector<1x250xf32>
    %mul3A_160 = vector.broadcast %get3A_159 : vector<1x250xf32> to vector<2048x250xf32>
    %mul3A_161 = arith.mulf %max3A_156, %mul3A_160 : vector<2048x250xf32>
    %reduce_sum3A_162 = arith.constant dense<0.000000e+00> : vector<2048xf32>
    %reduce_sum3A_163 = vector.multi_reduction <add>, %mul3A_161, %reduce_sum3A_162 [1] : vector<2048x250xf32> to vector<2048xf32>
    %broadcast_in_dim3A_164 = vector.shape_cast %reduce_sum3A_163 : vector<2048xf32> to vector<2048x1xf32>
    %get3A_165 = arith.constant 0 : index
    %get3A_166 = arith.constant 0 : index
    %get3A_167 = vector.load %arg14[%get3A_165, %get3A_166] : memref<1x1xf32, #tpu.memory_space<vmem>>, vector<1x1xf32>
    %add3A_168 = vector.broadcast %get3A_167 : vector<1x1xf32> to vector<2048x1xf32>
    %add3A_169 = arith.addf %broadcast_in_dim3A_164, %add3A_168 : vector<2048x1xf32>
    %logistic3A = arith.negf %add3A_169 : vector<2048x1xf32>
    %logistic3A_170 = math.exp %logistic3A : vector<2048x1xf32>
    %logistic3A_171 = arith.constant 1.000000e+00 : f32
    %logistic3A_172 = vector.broadcast %logistic3A_171 : f32 to vector<2048x1xf32>
    %logistic3A_173 = arith.addf %logistic3A_172, %logistic3A_170 : vector<2048x1xf32>
    %logistic3A_174 = arith.divf %logistic3A_172, %logistic3A_173 : vector<2048x1xf32>
    %mul3A_175 = arith.constant 5.500000e+00 : f32
    %mul3A_176 = vector.broadcast %mul3A_175 : f32 to vector<2048x1xf32>
    %mul3A_177 = arith.mulf %logistic3A_174, %mul3A_176 : vector<2048x1xf32>
    %swap3A = arith.constant 0 : index
    %swap3A_178 = arith.constant 0 : index
    %swap3A_179 = vector.load %arg15[%swap3A, %swap3A_178] : memref<2048x1xf32, #tpu.memory_space<vmem>>, vector<2048x1xf32>
    tpu.vector_store %arg15[%swap3A, %swap3A_178], %mul3A_177 {strides = array<i32>} : memref<2048x1xf32, #tpu.memory_space<vmem>>, vector<2048x1xf32>,
    return
  }
  func.func @transform_0(%arg0: i32) -> (i32, i32) {
    %c0_i32 = arith.constant 0 : i32
    %c0_i32_0 = arith.constant 0 : i32
    return %arg0, %c0_i32 : i32, i32
  }
  func.func @transform_1(%arg0: i32) -> (i32, i32) {
    %c0_i32 = arith.constant 0 : i32
    %c0_i32_0 = arith.constant 0 : i32
    return %arg0, %c0_i32 : i32, i32
  }
  func.func @transform_2(%arg0: i32) -> (i32, i32) {
    %c0_i32 = arith.constant 0 : i32
    %c0_i32_0 = arith.constant 0 : i32
    return %arg0, %c0_i32 : i32, i32
  }
  func.func @transform_3(%arg0: i32) -> (i32, i32) {
    %c0_i32 = arith.constant 0 : i32
    %c0_i32_0 = arith.constant 0 : i32
    return %arg0, %c0_i32 : i32, i32
  }
  func.func @transform_4(%arg0: i32) -> (i32, i32) {
    %c0_i32 = arith.constant 0 : i32
    %c0_i32_0 = arith.constant 0 : i32
    %c0_i32_1 = arith.constant 0 : i32
    return %c0_i32, %c0_i32_0 : i32, i32
  }
  func.func @transform_5(%arg0: i32) -> (i32, i32) {
    %c0_i32 = arith.constant 0 : i32
    %c0_i32_0 = arith.constant 0 : i32
    %c0_i32_1 = arith.constant 0 : i32
    return %c0_i32, %c0_i32_0 : i32, i32
  }
  func.func @transform_6(%arg0: i32) -> (i32, i32) {
    %c0_i32 = arith.constant 0 : i32
    %c0_i32_0 = arith.constant 0 : i32
    %c0_i32_1 = arith.constant 0 : i32
    return %c0_i32, %c0_i32_0 : i32, i32
  }
  func.func @transform_7(%arg0: i32) -> (i32, i32) {
    %c0_i32 = arith.constant 0 : i32
    %c0_i32_0 = arith.constant 0 : i32
    %c0_i32_1 = arith.constant 0 : i32
    return %c0_i32, %c0_i32_0 : i32, i32
  }
  func.func @transform_8(%arg0: i32) -> (i32, i32) {
    %c0_i32 = arith.constant 0 : i32
    %c0_i32_0 = arith.constant 0 : i32
    %c0_i32_1 = arith.constant 0 : i32
    return %c0_i32, %c0_i32_0 : i32, i32
  }
  func.func @transform_9(%arg0: i32) -> (i32, i32) {
    %c0_i32 = arith.constant 0 : i32
    %c0_i32_0 = arith.constant 0 : i32
    %c0_i32_1 = arith.constant 0 : i32
    return %c0_i32, %c0_i32_0 : i32, i32
  }
  func.func @transform_10(%arg0: i32) -> (i32, i32) {
    %c0_i32 = arith.constant 0 : i32
    %c0_i32_0 = arith.constant 0 : i32
    %c0_i32_1 = arith.constant 0 : i32
    return %c0_i32, %c0_i32_0 : i32, i32
  }
  func.func @transform_11(%arg0: i32) -> (i32, i32) {
    %c0_i32 = arith.constant 0 : i32
    %c0_i32_0 = arith.constant 0 : i32
    %c0_i32_1 = arith.constant 0 : i32
    return %c0_i32, %c0_i32_0 : i32, i32
  }
  func.func @transform_12(%arg0: i32) -> (i32, i32) {
    %c0_i32 = arith.constant 0 : i32
    %c0_i32_0 = arith.constant 0 : i32
    %c0_i32_1 = arith.constant 0 : i32
    return %c0_i32, %c0_i32_0 : i32, i32
  }
  func.func @transform_13(%arg0: i32) -> (i32, i32) {
    %c0_i32 = arith.constant 0 : i32
    %c0_i32_0 = arith.constant 0 : i32
    %c0_i32_1 = arith.constant 0 : i32
    return %c0_i32, %c0_i32_0 : i32, i32
  }
  func.func @transform_14(%arg0: i32) -> (i32, i32) {
    %c0_i32 = arith.constant 0 : i32
    %c0_i32_0 = arith.constant 0 : i32
    return %arg0, %c0_i32 : i32, i32
  }
}

</mosaic_0001>

<sc_bundles>
// kernel: kernel.5.cloned.1.call-start
scs
__scs_entry_jumppad:
0x0: {  	(pc) =	sbr.rel $0x88, $3  }
0x1: {  	(tag) =	ssettag $0x0;
	lr =	simm.s32 $0x1  }
0x2: {  	[smem:$0x3F93] =	sst lr;
	_ =	strace $0xD0000000  }
0x3: {  	_ = 	snop  }
0x4: {  	_ = 	snop  }
0x5: {  	_ = 	snop  }
0x6: {  	_ = 	snop  }
0x7: {  	_ = 	snop  }
__scs_overlays_trampoline_lowered:
0x8: {  	[smem:$0x3FA2] =	sst s0  }
0x9: {  	[smem:$0x3FA3] =	sst s1  }
0xa: {  	[smem:$0x3FA4] =	sst s2  }
0xb: {  	[smem:$0x3FA5] =	sst s3  }
0xc: {  	[smem:$0x3FA6] =	sst s4  }
0xd: {  	[smem:$0x3FA7] =	sst s5  }
0xe: {  	[smem:$0x3FA8] =	sst s6  }
0xf: {  	[smem:$0x3FA9] =	sst s7  }
0x10: {  	[smem:$0x3FAA] =	sst s8  }
0x11: {  	[smem:$0x3FAB] =	sst s9;
	s0 =	simm.s32 @!p0 $0x0  }
0x12: {  	s1 =	sld [smem:$0x3F91];
	s0 =	simm.s32 @p0 $0x1  }
0x13: {  	[smem:$0x3FAC] =	sst s0;
	s0 =	simm.s32 @!p1 $0x0  }
0x14: {  	s2 =	sld [smem:$0x3F90];
	s0 =	simm.s32 @p1 $0x1  }
0x15: {  	[smem:$0x3FAD] =	sst s0;
	s0 =	simm.s32 @!p2 $0x0  }
0x16: {  	s3 =	sld [smem:$0x3FDB];
	s0 =	simm.s32 @p2 $0x1  }
0x17: {  	s4 =	simm.s32 $0x1BF5;
	[smem:$0x3FAF] =	sst s0  }
0x18: {  	s0 =	sld [smem:$0x3F92];
	_ =	swait.ge [sflag:s4], $0x0  }
0x19: {  	s7 =	sld [smem:$0x3F93]  }
0x1a: {  	s8 =	sadd.s32 $0xFFFFE003, lr  }
0x1b: {  	s9 =	sadd.s32 $0xFFFFFEF7, lr;
	s5 =	simm.s32 $0xFFFFFFFF;
	p2 =	slt.u32 s8, $0xFFFFF086  }
0x1c: {  	p1 =	slt.u32 s9, $0xF7A;
	s5 =	simm.s32 @!p2 $0x0  }
0x1d: {  	s5 =	simm.s32 @p1 $0x1;
	p0 =	seq.s32 s7, s2  }
0x1e: {  	s7 =	smul.u32 @!p0 $0xF7A, s2;
	p2 =	seq.s32 @!p0 s5, $0x0  }
0x1f: {  	s9 =	smul.u32 $0xF7A, s1;
	s8 =	simm.s32 @!p0 $0x1BF5;
	p2 =	por !p2, p0  }
0x20: {  	[sflag:s8] =	ssyncset.s32 @!p0 $0xFFFFF086;
	s6 =	sadd.s32 @!p0 s3, s7;
	s7 =	simm.s32 @!p0 $0x108  }
0x21: {  	s3 =	sadd.s32 s3, s9;
	s6 =	sadd.s32 @!p0 $0x88, s6;
	s7 =	simm.s32 @p2 $0x1082  }
0x22: {  	[simem:s7], [sflag:s8] =	dma.local @!p0 [hbm:s6], $0xF7A  }
0x23: {  	s9 =	sor.u32 $0xD0000000, s2;
	s6 =	simm.s32 $0x108;
	_ =	swait.ge @!p0 [sflag:s8], $0x0  }
0x24: {  	s3 =	sadd.s32 $0x88, s3;
	s6 =	simm.s32 @!p1 $0x1082;
	[sflag:s4] =	ssyncset.s32 $0xFFFFF086  }
0x25: {  	[simem:s6], [sflag:s4] =	dma.local [hbm:s3], $0xF7A  }
0x26: {  	[smem:$0x3F93] =	sst s1;
	(tag) =	ssettag s2;
	_ =	strace s9  }
0x27: {  	s1 =	sld [smem:$0x3FA3]  }
0x28: {  	s2 =	sld [smem:$0x3FA4]  }
0x29: {  	s4 =	sld [smem:$0x3FA6]  }
0x2a: {  	p0 =	seq.s32 s5, $0x0;
	s5 =	sld [smem:$0x3FA7]  }
0x2b: {  	s6 =	sld [smem:$0x3FA8]  }
0x2c: {  	s7 =	sld [smem:$0x3FA9]  }
0x2d: {  	s3 =	simm.s32 $0x108;
	s8 =	sld [smem:$0x3FAA]  }
0x2e: {  	s3 =	simm.s32 @!p0 $0x1082;
	s9 =	sld [smem:$0x3FAB]  }
0x2f: {  	lr =	sadd.s32 s0, s3;
	s0 =	sld [smem:$0x3FA2]  }
0x30: {  	s3 =	sld [smem:$0x3FA5]  }
0x31: {  	[smem:$0x3FAE] =	sst s10  }
0x32: {  	s10 =	sld [smem:$0x3FAC];
	_ =	sdelay $0x3  }
0x33: {  	p0 =	seq.s32 s10, $0x1;
	s10 =	sld [smem:$0x3FAE];
	_ =	sdelay $0x3  }
0x34: {  	[smem:$0x3FAE] =	sst s10  }
0x35: {  	s10 =	sld [smem:$0x3FAD];
	_ =	sdelay $0x3  }
0x36: {  	p1 =	seq.s32 s10, $0x1;
	s10 =	sld [smem:$0x3FAE];
	_ =	sdelay $0x3  }
0x37: {  	[smem:$0x3FAE] =	sst s10  }
0x38: {  	s10 =	sld [smem:$0x3FAF]  }
0x39: {  	_ = 	snop;
	(pc) =	sbr.ind lr, $3  }
0x3a: {  	_ = 	snop  }
0x3b: {  	_ = 	snop  }
0x3c: {  	p2 =	seq.s32 s10, $0x1;
	s10 =	sld [smem:$0x3FAE]  }
0x3d: {  	_ =	shalt  }
0x3e: {  	_ =	shalt  }
0x3f: {  	_ =	shalt  }
0x40: {  	_ =	shalt  }
0x41: {  	_ =	shalt  }
0x42: {  	_ =	shalt  }
0x43: {  	_ =	shalt  }
0x44: {  	_ =	shalt  }
0x45: {  	_ =	shalt  }
0x46: {  	_ =	shalt  }
0x47: {  	_ =	shalt  }
0x48: {  	_ =	shalt  }
0x49: {  	_ =	shalt  }
0x4a: {  	_ =	shalt  }
0x4b: {  	_ =	shalt  }
0x4c: {  	_ =	shalt  }
0x4d: {  	_ =	shalt  }
0x4e: {  	_ =	shalt  }
0x4f: {  	_ =	shalt  }
0x50: {  	_ =	shalt  }
0x51: {  	_ =	shalt  }
0x52: {  	_ =	shalt  }
0x53: {  	_ =	shalt  }
0x54: {  	_ =	shalt  }
0x55: {  	_ =	shalt  }
0x56: {  	_ =	shalt  }
0x57: {  	_ =	shalt  }
0x58: {  	_ =	shalt  }
0x59: {  	_ =	shalt  }
0x5a: {  	_ =	shalt  }
0x5b: {  	_ =	shalt  }
0x5c: {  	_ =	shalt  }
0x5d: {  	_ =	shalt  }
0x5e: {  	_ =	shalt  }
0x5f: {  	_ =	shalt  }
0x60: {  	_ =	shalt  }
0x61: {  	_ =	shalt  }
0x62: {  	_ =	shalt  }
0x63: {  	_ =	shalt  }
0x64: {  	_ =	shalt  }
0x65: {  	_ =	shalt  }
0x66: {  	_ =	shalt  }
0x67: {  	_ =	shalt  }
0x68: {  	_ =	shalt  }
0x69: {  	_ =	shalt  }
0x6a: {  	_ =	shalt  }
0x6b: {  	_ =	shalt  }
0x6c: {  	_ =	shalt  }
0x6d: {  	_ =	shalt  }
0x6e: {  	_ =	shalt  }
0x6f: {  	_ =	shalt  }
0x70: {  	_ =	shalt  }
0x71: {  	_ =	shalt  }
0x72: {  	_ =	shalt  }
0x73: {  	_ =	shalt  }
0x74: {  	_ =	shalt  }
0x75: {  	_ =	shalt  }
0x76: {  	_ =	shalt  }
0x77: {  	_ =	shalt  }
0x78: {  	_ =	shalt  }
0x79: {  	_ =	shalt  }
0x7a: {  	_ =	shalt  }
0x7b: {  	_ =	shalt  }
0x7c: {  	_ =	shalt  }
0x7d: {  	_ =	shalt  }
0x7e: {  	_ =	shalt  }
0x7f: {  	_ =	shalt  }
0x80: {  	_ =	shalt  }
0x81: {  	_ =	shalt  }
0x82: {  	_ =	shalt  }
0x83: {  	_ =	shalt  }
0x84: {  	_ =	shalt  }
0x85: {  	_ =	shalt  }
0x86: {  	_ =	shalt  }
0x87: {  	_ =	shalt  }
.Lfunc_end0:
.L_simem_size_0:
called_computation_lowered:
.L_overlay_start_0:
0x88: {  	s2 =	sld [smem:$0x3FD9]  }
0x89: {  	s3 =	sld [smem:$0x3FFE];
	_ =	sdelay $0x1  }
0x8a: {  	s1 =	srdreg.scid  }
0x8b: {  	s0 =	sand.u32 $0x1, s1  }
0x8c: {  	s17 =	sshll.u32 s0, $0xA;
	s2 =	sadd.s32 s3, s2  }
0x8d: {  	s2 =	sadd.s32 s2, s17  }
0x8e: {  	[smem:$0x3FBA] =	sst s2  }
0x8f: {  	_ = 	snop  }
0x90: {  	s2 =	sld [smem:$0x3FC9]  }
0x91: {  	s18 =	sld [smem:$0x3FC8];
	(tm) =	ssettm $0x1  }
0x92: {  	s4 =	sld [smem:$0x3FFB];
	_ =	sdelay $0x3  }
0x93: {  	_ =	strace s4  }
0x94: {  	s4 =	sld [smem:$0x3FFC];
	_ =	sdelay $0x3  }
0x95: {  	_ =	strace s4  }
0x96: {  	s4 =	sld [smem:$0x3FFD];
	_ =	sdelay $0x3  }
0x97: {  	_ =	strace s4  }
0x98: {  	_ =	strace $0x8FFFFFFF  }
0x99: {  	s19 =	sld [smem:$0x3FDB];
	_ =	sdelay $0x1  }
0x9a: {  	s5 =	simm.s32 $_scs_section_size  }
0x9b: {  	s6 =	simm.s32 $_size__tile_overlayer_lowered;
	s7 =	simm.s32 $_tile_overlayer_lowered  }
0x9c: {  	s22 =	simm.s32 $0x1BFF;
	s21 =	sshll.u32 s7, $0x1;
	s4 =	sadd.s32 s5, s19  }
0x9d: {  	s8 =	simm.s32 $0x0;
	s20 =	sshll.u32 s6, $0x1;
	s6 =	sadd.s32 s21, s4  }
0x9e: {  	[timem:s8], [sflag:s22] =	dma.local [hbm:s6], s20  }
0x9f: {  	_ =	swait.ge [sflag:s22], s20  }
0xa0: {  	s5 =	ssub.s32 $0x0, s20;
	[sflag:s22] =	ssyncset.done $0x0  }
0xa1: {  	[sflag:s22] =	ssyncadd.s32 s5;
	_ =	sdelay $0x1  }
0xa2: {  	s23 =	simm.s32 $0x1B8B  }
0xa3: {  	_ =	swait.ge [sflag:s23], $0x1  }
0xa4: {  	[sflag:s23] =	ssyncset.done $0x0  }
0xa5: {  	s25 =	simm.s32 $0x1B8E;
	s24 =	sld [smem:$0x3FFE];
	[sflag:s23] =	ssyncadd.s32 $0xFFFFFFFF  }
0xa6: {  	s26 =	simm.s32 $execute0_lowered;
	[smem:$0x3FD2] =	sst s25  }
0xa7: {  	s6 =	sshll.u32 s26, $0x1;
	_ =	strace $0x80000046;
	[dreg:$0x1] =	wrdreg $0xFFFFFFFF  }
0xa8: {  	s28 =	simm.s32 $_size_execute0_lowered;
	s4 =	sadd.s32 s4, s6;
	[dreg:$0x0] =	wrdreg $0x0  }
0xa9: {  	s6 =	sshll.u32 s28, $0x1;
	[dreg:$0x2] =	wrdreg s4  }
0xaa: {  	[dreg:$0x3] =	wrdreg s6  }
0xab: {  	[dreg:$0x4] =	wrdreg $0xC0  }
0xac: {  	_ =	task [dreg:s8], $0x5FFFF  }
0xad: {  	[dreg:$0x1] =	wrdreg $0xFFFFFFFF  }
0xae: {  	[dreg:$0x0] =	wrdreg $0x60  }
0xaf: {  	[dreg:$0x2] =	wrdreg s2  }
0xb0: {  	[dreg:$0x3] =	wrdreg s18  }
0xb1: {  	[dreg:$0x4] =	wrdreg s24  }
0xb2: {  	[dreg:$0x5] =	wrdreg $0x9  }
0xb3: {  	_ =	task.clear_ibuf [dreg:s8], $0x6FFFF;
	_ =	strace $0x90000046  }
0xb4: {  	s29 =	simm.s32 $0x9;
	_ =	strace $0x80000048  }
0xb5: {  	_ =	swait.ge [sflag:s29], $0x1  }
0xb6: {  	[sflag:s29] =	ssyncadd.s32 $0xFFFFFFFF  }
0xb7: {  	_ =	strace $0x90000048  }
0xb8: {  	_ =	sfence  }
0xb9: {  	s30 =	sld [smem:$0x0];
	_ =	sdelay $0x2  }
0xba: {  	s31 =	sshll.u32 s1, $0xD;
	s1 =	sshrl.u32 s1, $0x2  }
0xbb: {  	s3 =	sand.u32 $0x4000, s31;
	s1 =	sadd.s32 s1, s30  }
0xbc: {  	s0 =	sor.u32 s3, s0;
	s1 =	sshll.u32 s1, $0x11  }
0xbd: {  	s0 =	sor.u32 s1, s0  }
0xbe: {  	s0 =	sadd.s32 $0x8F2B, s0  }
0xbf: {  	[sflag:s0] =	ssyncadd.remote.s32 $0x1  }
0xc0: {  	_ =	sfence.sel $0xFFFF  }
0xc1: {  	[dreg:$0x0] =	wrdreg $0xFFFFFFFF;
	(pc) =	sbr.abs _section_cstart, $3  }
0xc2: {  	[dreg:$0x1] =	wrdreg $0xFFFFFFFF  }
0xc3: {  	_ =	task.clear_ibuf [dreg:s8], $0x2FFFF;
	_ =	strace $0x9FFFFFFF  }
0xc4: {  	(tm) =	ssettm $0x7FFFFFFF  }
0xc5: {  	_ =	shalt  }
tec
execute0_lowered:
.L_overlay_start_1:
0x0: {  	(tag) =	ssettag $0x1  }
0x1: {  	s5 =	rddreg [dreg:$0x0]  }
0x2: {  	s6 =	rddreg [dreg:$0x1]  }
0x3: {  	s7 =	rddreg [dreg:$0x2]  }
0x4: {  	s0 =	rddreg [dreg:$0x3];
	s1 =	simm.s32 $0x0;
	s8 =	srdreg.scid  }
0x5: {  	s2 =	stileid.u32;
	s14 =	simm.s32 $0x100;
	s15 =	simm.s32 $0x400  }
0x6: {  	s16 =	simm.s32 $0x600;
	s17 =	simm.s32 $0x500;
	s18 =	simm.s32 $0x8600  }
0x7: {  	s19 =	simm.s32 $0x1;
	s20 =	simm.s32 $0x2;
	[smem:$0x7FF] =	sst s1  }
0x8: {  	s3 =	sadd.s32 $0x2800, s7;
	s4 =	sadd.s32 $0x3D6800, s7;
	s8 =	sand.u32 $0x1, s8  }
0x9: {  	s10 =	sshll.u32 s2, $0xA;
	s9 =	ssub.s32 $0x2, s8;
	s8 =	sshll.u32 s8, $0x9  }
0xa: {  	s11 =	sadd.s32 $0x7AA800, s7;
	s29 =	sadd.s32 $0x7EA800, s7;
	s8 =	sor.u32 s8, s10  }
0xb: {  	_ =	strace $0x80000047;
	s12 =	sshrl.u32 s9, $0x1;
	s30 =	sshrl.u32 s8, $0x3  }
0xc: {  	s12 =	ssub.s32 s9, s12;
	s31 =	sshll.u32 s8, $0x4;
	s5 =	sadd.s32 s5, s30  }
0xd: {  	s6 =	sadd.s32 s6, s30;
	s7 =	sadd.s32 s11, s31;
	s13 =	sor.u32 $0x1000, s31  }
0xe: {  	s8 =	sadd.s32 s29, s31;
	s9 =	sadd.s32 s11, s13;
	s10 =	sadd.s32 s29, s13  }
0xf: {  	s11 =	smax.u32 s12, $0x1;
	s12 =	simm.s32 $0x3;
	s13 =	simm.s32 $0x200  }
.LBB2_1:
0x10: {  	[tilespmem:s1], [sflag:$0x3] =	stream.linear.gather [hbm4b:s5+s1], $0x200, $0x38;
	[tilespmem:$0x10600] =	vst v63  }
0x11: {  	_ =	swait.ge [sflag:s12], $0x200  }
0x12: {  	[sflag:s12] =	ssyncset.done $0x0  }
0x13: {  	[sflag:s12] =	ssyncadd.s32 $0xFFFFFE00  }
0x14: {  	[tilespmem:s13], [sflag:$0x3] =	stream.linear.gather [hbm4b:s6+s1], $0x200, $0x38;
	[tilespmem:$0x10600] =	vst v63  }
0x15: {  	_ =	swait.ge [sflag:s12], $0x200  }
0x16: {  	[sflag:s12] =	ssyncset.done $0x0  }
0x17: {  	[sflag:s12] =	ssyncadd.s32 $0xFFFFFE00  }
0x18: {  	v0 =	vld [tilespmem:$0x0]  }
0x19: {  	v1 =	vld [tilespmem:$0x200]  }
0x1a: {  	v2 =	vld [tilespmem:$0x10]  }
0x1b: {  	v3 =	vld [tilespmem:$0x210]  }
0x1c: {  	v5 =	vld [tilespmem:$0x20]  }
0x1d: {  	v7 =	vld [tilespmem:$0x220]  }
0x1e: {  	v8 =	vld [tilespmem:$0x30]  }
0x1f: {  	v43 =	vld [tilespmem:$0x230]  }
0x20: {  	v10 =	vld [tilespmem:$0x40]  }
0x21: {  	v11 =	vld [tilespmem:$0x240]  }
0x22: {  	v48 =	vld [tilespmem:$0x50]  }
0x23: {  	v13 =	vld [tilespmem:$0x250];
	v4 =	vshra.s32 v0, $0x2  }
0x24: {  	v14 =	vld [tilespmem:$0x60];
	v0 =	vand.u32 $0x3FF, v0;
	v6 =	vshra.s32 v1, $0x2;
	v41 =	vshra.s32 v2, $0x2  }
0x25: {  	v53 =	vld [tilespmem:$0x260];
	v1 =	vand.u32 $0x3FF, v1;
	v2 =	vand.u32 $0x3FF, v2;
	v42 =	vshra.s32 v3, $0x2  }
0x26: {  	v15 =	vld [tilespmem:$0x70];
	v3 =	vand.u32 $0x3FF, v3;
	v9 =	vshra.s32 v5, $0x2;
	v45 =	vshra.s32 v7, $0x2  }
0x27: {  	v62 =	vld [tilespmem:$0x270];
	v5 =	vand.u32 $0x3FF, v5;
	v7 =	vand.u32 $0x3FF, v7;
	v47 =	vshra.s32 v8, $0x2  }
0x28: {  	v17 =	vld [tilespmem:$0x80];
	v8 =	vand.u32 $0x3FF, v8;
	v12 =	vshra.s32 v43, $0x2;
	v50 =	vshra.s32 v10, $0x2  }
0x29: {  	v20 =	vld [tilespmem:$0x280];
	v10 =	vand.u32 $0x3FF, v10;
	v52 =	vshra.s32 v11, $0x2;
	v55 =	vand.u32 $0x3FF, v11  }
0x2a: {  	v56 =	vshra.s32 v48, $0x2;
	v58 =	vshra.s32 v13, $0x2;
	v59 =	vand.u32 $0x3FF, v48  }
0x2b: {  	v61 =	vand.u32 $0x3FF, v13;
	v16 =	vshra.s32 v14, $0x2;
	v18 =	vand.u32 $0x3FF, v14  }
0x2c: {  	v19 =	vshra.s32 v53, $0x2;
	v22 =	vshra.s32 v15, $0x2;
	v23 =	vand.u32 $0x3FF, v53  }
0x2d: {  	v24 =	vand.u32 $0x3FF, v15;
	v26 =	vshra.s32 v62, $0x2;
	v28 =	vand.u32 $0x3FF, v62  }
0x2e: {  	v25 =	vld [tilespmem:$0x90];
	v29 =	vshra.s32 v17, $0x2;
	v33 =	vshra.s32 v20, $0x2;
	v4 =	vand.u32 $0xFFFFFC00, v4  }
0x2f: {  	v34 =	vand.u32 $0x3FF, v17;
	v40 =	vand.u32 $0xFFFFFC00, v6;
	v0 =	vor.u32 v0, v4  }
0x30: {  	v35 =	vand.u32 $0x3FF, v20;
	v6 =	vand.u32 $0xFFFFFC00, v41;
	v1 =	vor.u32 v1, v40;
	[tilespmem:$0x400] =	vst v0  }
0x31: {  	v44 =	vand.u32 $0xFFFFFC00, v9;
	v9 =	vand.u32 $0xFFFFFC00, v45;
	v2 =	vor.u32 v2, v6;
	[tilespmem:$0x500] =	vst v1  }
0x32: {  	v49 =	vand.u32 $0xFFFFFC00, v12;
	v12 =	vand.u32 $0xFFFFFC00, v50;
	v46 =	vor.u32 v7, v9;
	[tilespmem:$0x410] =	vst v2  }
0x33: {  	v30 =	vld [tilespmem:$0xA0];
	v38 =	vshra.s32 v25, $0x2;
	v60 =	vand.u32 $0xFFFFFC00, v58;
	v51 =	vor.u32 v10, v12;
	[tilespmem:$0x520] =	vst v46  }
0x34: {  	v27 =	vld [tilespmem:$0x290];
	v54 =	vand.u32 $0xFFFFFC00, v52;
	v4 =	vand.u32 $0xFFFFFC00, v42;
	v63 =	vor.u32 v61, v60;
	[tilespmem:$0x440] =	vst v51  }
0x35: {  	v57 =	vand.u32 $0xFFFFFC00, v56;
	v21 =	vand.u32 $0xFFFFFC00, v19;
	v3 =	vor.u32 v3, v4;
	[tilespmem:$0x550] =	vst v63  }
0x36: {  	v32 =	vand.u32 $0xFFFFFC00, v29;
	v7 =	vand.u32 $0xFFFFFC00, v47;
	v4 =	vor.u32 v5, v44;
	[tilespmem:$0x510] =	vst v3  }
0x37: {  	v36 =	vld [tilespmem:$0x2A0];
	v41 =	vand.u32 $0x3FF, v25;
	v6 =	vand.u32 $0x3FF, v43;
	v7 =	vor.u32 v8, v7;
	[tilespmem:$0x420] =	vst v4  }
0x38: {  	v39 =	vld [tilespmem:$0xB0];
	v45 =	vshra.s32 v30, $0x2;
	v40 =	vand.u32 $0xFFFFFC00, v38;
	v6 =	vor.u32 v6, v49;
	[tilespmem:$0x430] =	vst v7  }
0x39: {  	v42 =	vshra.s32 v27, $0x2;
	v47 =	vand.u32 $0x3FF, v30;
	v0 =	vor.u32 v55, v54;
	[tilespmem:$0x530] =	vst v6  }
0x3a: {  	v1 =	vor.u32 v59, v57;
	v5 =	vand.u32 $0xFFFFFC00, v22;
	v8 =	vand.u32 $0xFFFFFC00, v33;
	[tilespmem:$0x540] =	vst v0  }
0x3b: {  	v44 =	vand.u32 $0xFFFFFC00, v42;
	v46 =	vand.u32 $0x3FF, v27;
	v4 =	vor.u32 v23, v21;
	[tilespmem:$0x450] =	vst v1  }
0x3c: {  	v48 =	vld [tilespmem:$0xC0];
	v51 =	vshra.s32 v36, $0x2;
	v54 =	vand.u32 $0x3FF, v36;
	v5 =	vor.u32 v24, v5;
	[tilespmem:$0x560] =	vst v4  }
0x3d: {  	v13 =	vld [tilespmem:$0xE0];
	v55 =	vshra.s32 v39, $0x2;
	v59 =	vand.u32 $0x3FF, v39;
	v1 =	vor.u32 v34, v32;
	[tilespmem:$0x470] =	vst v5  }
0x3e: {  	v52 =	vld [tilespmem:$0x2C0];
	v3 =	vand.u32 $0xFFFFFC00, v16;
	v6 =	vand.u32 $0xFFFFFC00, v26;
	v37 =	vor.u32 v35, v8;
	[tilespmem:$0x480] =	vst v1  }
0x3f: {  	v56 =	vld [tilespmem:$0xD0];
	v49 =	vor.u32 v46, v44;
	v53 =	vand.u32 $0xFFFFFC00, v51;
	v57 =	vand.u32 $0xFFFFFC00, v55;
	[tilespmem:$0x580] =	vst v37  }
0x40: {  	v25 =	vld [tilespmem:$0x2F0];
	v3 =	vor.u32 v18, v3;
	v31 =	vor.u32 v28, v6;
	v6 =	vand.u32 $0xFFFFFC00, v45;
	[tilespmem:$0x590] =	vst v49  }
0x41: {  	v43 =	vld [tilespmem:$0x2B0];
	v1 =	vor.u32 v54, v53;
	v62 =	vor.u32 v59, v57;
	v12 =	vshra.s32 v48, $0x2;
	[tilespmem:$0x460] =	vst v3  }
0x42: {  	v14 =	vand.u32 $0x3FF, v48;
	v28 =	vshra.s32 v13, $0x2;
	v32 =	vand.u32 $0x3FF, v13;
	[tilespmem:$0x570] =	vst v31  }
0x43: {  	v61 =	vld [tilespmem:$0x2D0];
	v3 =	vor.u32 v41, v40;
	v50 =	vor.u32 v47, v6;
	v15 =	vshra.s32 v52, $0x2;
	[tilespmem:$0x5A0] =	vst v1  }
0x44: {  	v19 =	vshra.s32 v56, $0x2;
	[tilespmem:$0x4B0] =	vst v62;
	v20 =	vand.u32 $0x3FF, v52;
	v21 =	vand.u32 $0x3FF, v56  }
0x45: {  	v30 =	vand.u32 $0xFFFFFC00, v28;
	v39 =	vshra.s32 v25, $0x2;
	v41 =	vand.u32 $0x3FF, v25;
	[tilespmem:$0x490] =	vst v3  }
0x46: {  	v22 =	vld [tilespmem:$0xF0];
	v58 =	vshra.s32 v43, $0x2;
	[tilespmem:$0x4A0] =	vst v50;
	v3 =	vand.u32 $0xFFFFFC00, v12;
	v34 =	vor.u32 v32, v30  }
0x47: {  	v16 =	vld [tilespmem:$0x2E0];
	v60 =	vand.u32 $0x3FF, v43;
	v18 =	vand.u32 $0xFFFFFC00, v15;
	v17 =	vor.u32 v14, v3;
	[tilespmem:$0x4E0] =	vst v34  }
0x48: {  	v4 =	vand.u32 $0xFFFFFC00, v19;
	v24 =	vshra.s32 v61, $0x2;
	v0 =	vor.u32 v20, v18;
	[tilespmem:$0x4C0] =	vst v17  }
0x49: {  	v27 =	vand.u32 $0x3FF, v61;
	v40 =	vand.u32 $0xFFFFFC00, v39;
	v23 =	vor.u32 v21, v4;
	[tilespmem:$0x5C0] =	vst v0  }
0x4a: {  	v5 =	vand.u32 $0xFFFFFC00, v58;
	v26 =	vand.u32 $0xFFFFFC00, v24;
	v42 =	vor.u32 v41, v40;
	[tilespmem:$0x4D0] =	vst v23  }
0x4b: {  	v36 =	vshra.s32 v22, $0x2;
	v38 =	vand.u32 $0x3FF, v22;
	v63 =	vor.u32 v60, v5;
	[tilespmem:$0x5F0] =	vst v42  }
0x4c: {  	v29 =	vor.u32 v27, v26;
	v31 =	vshra.s32 v16, $0x2;
	v37 =	vand.u32 $0xFFFFFC00, v36;
	[tilespmem:$0x5B0] =	vst v63  }
0x4d: {  	v33 =	vand.u32 $0x3FF, v16;
	v3 =	vand.u32 $0xFFFFFC00, v31;
	[tilespmem:$0x5D0] =	vst v29;
	v0 =	vor.u32 v38, v37  }
0x4e: {  	v35 =	vor.u32 v33, v3;
	[tilespmem:$0x4F0] =	vst v0  }
0x4f: {  	[tilespmem:$0x5E0] =	vst v35  }
0x50: {  	[tilespmem:s16], [sflag:$0x1] =	stream.indirect.gather [hbm4b:s3+s14], $0x80, s15, s14, $0xb8;
	[tilespmem:$0x10600] =	vst v63  }
0x51: {  	_ = 	snop  }
0x52: {  	[tilespmem:s18], [sflag:$0x2] =	stream.indirect.gather [hbm4b:s4+s14], $0x80, s17, s14, $0xb8;
	[tilespmem:$0x10600] =	vst v63  }
0x53: {  	_ =	swait.ge [sflag:s19], $0x8000  }
0x54: {  	[sflag:s19] =	ssyncset.done $0x0  }
0x55: {  	[sflag:s19] =	ssyncadd.s32 $0xFFFF8000  }
0x56: {  	_ =	swait.ge [sflag:s20], $0x8000  }
0x57: {  	[sflag:s20] =	ssyncset.done $0x0  }
0x58: {  	[sflag:s20] =	ssyncadd.s32 $0xFFFF8000  }
0x59: {  	[hbm4b:s7+s1] =	stream.linear.scatter [tilespmem:s16], [sflag:$0x3], $0x8000, $0x38;
	[tilespmem:$0x10600] =	vst v63  }
0x5a: {  	_ =	swait.ge [sflag:s12], $0x8000  }
0x5b: {  	[sflag:s12] =	ssyncset.done $0x0  }
0x5c: {  	[sflag:s12] =	ssyncadd.s32 $0xFFFF8000  }
0x5d: {  	[hbm4b:s8+s1] =	stream.linear.scatter [tilespmem:s18], [sflag:$0x3], $0x8000, $0x38;
	[tilespmem:$0x10600] =	vst v63  }
0x5e: {  	_ =	swait.ge [sflag:s12], $0x8000  }
0x5f: {  	[sflag:s12] =	ssyncset.done $0x0  }
0x60: {  	[sflag:s12] =	ssyncadd.s32 $0xFFFF8000  }
0x61: {  	v43 =	vld [tilespmem:$0x100]  }
0x62: {  	v44 =	vld [tilespmem:$0x300]  }
0x63: {  	v45 =	vld [tilespmem:$0x110]  }
0x64: {  	v46 =	vld [tilespmem:$0x310]  }
0x65: {  	v48 =	vld [tilespmem:$0x120]  }
0x66: {  	v50 =	vld [tilespmem:$0x320]  }
0x67: {  	v53 =	vld [tilespmem:$0x130]  }
0x68: {  	v55 =	vld [tilespmem:$0x330]  }
0x69: {  	v57 =	vld [tilespmem:$0x140]  }
0x6a: {  	v60 =	vld [tilespmem:$0x340]  }
0x6b: {  	v63 =	vld [tilespmem:$0x150];
	v47 =	vshra.s32 v43, $0x2  }
0x6c: {  	v18 =	vld [tilespmem:$0x350];
	v0 =	vand.u32 $0x3FF, v43;
	v49 =	vshra.s32 v44, $0x2;
	v52 =	vshra.s32 v45, $0x2  }
0x6d: {  	v21 =	vld [tilespmem:$0x160];
	v1 =	vand.u32 $0x3FF, v44;
	v2 =	vand.u32 $0x3FF, v45;
	v54 =	vshra.s32 v46, $0x2  }
0x6e: {  	v24 =	vld [tilespmem:$0x360];
	v3 =	vand.u32 $0x3FF, v46;
	v56 =	vshra.s32 v48, $0x2;
	v59 =	vshra.s32 v50, $0x2  }
0x6f: {  	v28 =	vld [tilespmem:$0x170];
	v5 =	vand.u32 $0x3FF, v48;
	v7 =	vand.u32 $0x3FF, v50;
	v62 =	vshra.s32 v53, $0x2  }
0x70: {  	v34 =	vld [tilespmem:$0x370];
	v8 =	vand.u32 $0x3FF, v53;
	v17 =	vshra.s32 v55, $0x2;
	v20 =	vshra.s32 v57, $0x2  }
0x71: {  	v40 =	vld [tilespmem:$0x380];
	v10 =	vand.u32 $0x3FF, v57;
	v23 =	vshra.s32 v60, $0x2;
	v26 =	vand.u32 $0x3FF, v60  }
0x72: {  	v27 =	vshra.s32 v63, $0x2;
	v30 =	vshra.s32 v18, $0x2;
	v31 =	vand.u32 $0x3FF, v63  }
0x73: {  	v33 =	vand.u32 $0x3FF, v18;
	v36 =	vshra.s32 v21, $0x2;
	v38 =	vand.u32 $0x3FF, v21  }
0x74: {  	v39 =	vshra.s32 v24, $0x2;
	v42 =	vshra.s32 v28, $0x2;
	v43 =	vand.u32 $0x3FF, v24  }
0x75: {  	v44 =	vand.u32 $0x3FF, v28;
	v46 =	vshra.s32 v34, $0x2;
	v48 =	vand.u32 $0x3FF, v34  }
0x76: {  	v37 =	vld [tilespmem:$0x180];
	v53 =	vshra.s32 v40, $0x2;
	v4 =	vand.u32 $0xFFFFFC00, v47;
	v51 =	vand.u32 $0xFFFFFC00, v49  }
0x77: {  	v6 =	vand.u32 $0xFFFFFC00, v52;
	v58 =	vand.u32 $0xFFFFFC00, v56;
	v0 =	vor.u32 v0, v4  }
0x78: {  	v9 =	vand.u32 $0xFFFFFC00, v59;
	v19 =	vand.u32 $0xFFFFFC00, v17;
	v1 =	vor.u32 v1, v51;
	[tilespmem:$0x400] =	vst v0  }
0x79: {  	v12 =	vand.u32 $0xFFFFFC00, v20;
	v25 =	vand.u32 $0xFFFFFC00, v23;
	v2 =	vor.u32 v2, v6;
	[tilespmem:$0x500] =	vst v1  }
0x7a: {  	v29 =	vand.u32 $0xFFFFFC00, v27;
	v32 =	vand.u32 $0xFFFFFC00, v30;
	v61 =	vor.u32 v7, v9;
	[tilespmem:$0x410] =	vst v2  }
0x7b: {  	v41 =	vand.u32 $0xFFFFFC00, v39;
	v49 =	vshra.s32 v37, $0x2;
	v22 =	vor.u32 v10, v12;
	[tilespmem:$0x520] =	vst v61  }
0x7c: {  	v4 =	vand.u32 $0xFFFFFC00, v54;
	v7 =	vand.u32 $0xFFFFFC00, v62;
	v35 =	vor.u32 v33, v32;
	[tilespmem:$0x440] =	vst v22  }
0x7d: {  	v45 =	vld [tilespmem:$0x190];
	v6 =	vand.u32 $0x3FF, v55;
	v52 =	vand.u32 $0xFFFFFC00, v49;
	v3 =	vor.u32 v3, v4;
	[tilespmem:$0x550] =	vst v35  }
0x7e: {  	v50 =	vld [tilespmem:$0x1A0];
	v54 =	vand.u32 $0x3FF, v37;
	v55 =	vand.u32 $0x3FF, v40;
	v4 =	vor.u32 v5, v58;
	[tilespmem:$0x510] =	vst v3  }
0x7f: {  	v63 =	vld [tilespmem:$0x3B0];
	v7 =	vor.u32 v8, v7;
	v6 =	vor.u32 v6, v19;
	v0 =	vor.u32 v26, v25;
	[tilespmem:$0x420] =	vst v4  }
0x80: {  	v21 =	vld [tilespmem:$0x3C0];
	v1 =	vor.u32 v31, v29;
	v5 =	vand.u32 $0xFFFFFC00, v42;
	v8 =	vand.u32 $0xFFFFFC00, v53;
	[tilespmem:$0x430] =	vst v7  }
0x81: {  	v34 =	vld [tilespmem:$0x1E0];
	v3 =	vand.u32 $0xFFFFFC00, v36;
	[tilespmem:$0x530] =	vst v6;
	v4 =	vor.u32 v43, v41;
	v5 =	vor.u32 v44, v5  }
0x82: {  	v47 =	vld [tilespmem:$0x390];
	v6 =	vand.u32 $0xFFFFFC00, v46;
	[tilespmem:$0x450] =	vst v1;
	v1 =	vor.u32 v54, v52;
	v57 =	vor.u32 v55, v8  }
0x83: {  	v56 =	vld [tilespmem:$0x3A0];
	[tilespmem:$0x540] =	vst v0;
	v3 =	vor.u32 v38, v3;
	v51 =	vor.u32 v48, v6;
	v58 =	vshra.s32 v45, $0x2  }
0x84: {  	v59 =	vld [tilespmem:$0x1B0];
	v61 =	vand.u32 $0x3FF, v45;
	[tilespmem:$0x560] =	vst v4;
	v14 =	vshra.s32 v50, $0x2;
	v16 =	vand.u32 $0x3FF, v50  }
0x85: {  	v17 =	vld [tilespmem:$0x1C0];
	[tilespmem:$0x470] =	vst v5;
	v27 =	vshra.s32 v63, $0x2;
	v29 =	vand.u32 $0x3FF, v63;
	v36 =	vshra.s32 v21, $0x2  }
0x86: {  	[tilespmem:$0x480] =	vst v1;
	v41 =	vand.u32 $0x3FF, v21;
	v49 =	vshra.s32 v34, $0x2;
	v53 =	vand.u32 $0x3FF, v34  }
0x87: {  	v30 =	vld [tilespmem:$0x3D0];
	[tilespmem:$0x580] =	vst v57;
	v60 =	vand.u32 $0xFFFFFC00, v58;
	v62 =	vshra.s32 v47, $0x2;
	v15 =	vand.u32 $0x3FF, v47  }
0x88: {  	[tilespmem:$0x460] =	vst v3;
	v6 =	vand.u32 $0xFFFFFC00, v14;
	v20 =	vshra.s32 v56, $0x2;
	v23 =	vand.u32 $0x3FF, v56  }
0x89: {  	[tilespmem:$0x570] =	vst v51;
	v24 =	vshra.s32 v59, $0x2;
	v28 =	vand.u32 $0x3FF, v59;
	v3 =	vor.u32 v61, v60  }
0x8a: {  	v37 =	vld [tilespmem:$0x3E0];
	v5 =	vand.u32 $0xFFFFFC00, v27;
	v33 =	vshra.s32 v17, $0x2;
	v19 =	vor.u32 v16, v6;
	[tilespmem:$0x490] =	vst v3  }
0x8b: {  	v35 =	vand.u32 $0x3FF, v17;
	v39 =	vand.u32 $0xFFFFFC00, v36;
	v32 =	vor.u32 v29, v5;
	[tilespmem:$0x4A0] =	vst v19  }
0x8c: {  	v25 =	vld [tilespmem:$0x1D0];
	v45 =	vshra.s32 v30, $0x2;
	v51 =	vand.u32 $0xFFFFFC00, v49;
	v0 =	vor.u32 v41, v39;
	[tilespmem:$0x5B0] =	vst v32  }
0x8d: {  	v48 =	vand.u32 $0x3FF, v30;
	v13 =	vand.u32 $0xFFFFFC00, v62;
	v55 =	vor.u32 v53, v51;
	[tilespmem:$0x5C0] =	vst v0  }
0x8e: {  	v43 =	vld [tilespmem:$0x1F0];
	v22 =	vand.u32 $0xFFFFFC00, v20;
	v26 =	vand.u32 $0xFFFFFC00, v24;
	v18 =	vor.u32 v15, v13;
	[tilespmem:$0x4E0] =	vst v55  }
0x8f: {  	v46 =	vld [tilespmem:$0x3F0];
	v47 =	vand.u32 $0xFFFFFC00, v45;
	v52 =	vshra.s32 v37, $0x2;
	v1 =	vor.u32 v23, v22;
	[tilespmem:$0x590] =	vst v18  }
0x90: {  	v54 =	vand.u32 $0x3FF, v37;
	v31 =	vor.u32 v28, v26;
	v3 =	vand.u32 $0xFFFFFC00, v33;
	[tilespmem:$0x5A0] =	vst v1  }
0x91: {  	v40 =	vshra.s32 v25, $0x2;
	v42 =	vand.u32 $0x3FF, v25;
	v50 =	vor.u32 v48, v47;
	[tilespmem:$0x4B0] =	vst v31  }
0x92: {  	v38 =	vor.u32 v35, v3;
	v4 =	vand.u32 $0xFFFFFC00, v40;
	v3 =	vand.u32 $0xFFFFFC00, v52;
	[tilespmem:$0x5D0] =	vst v50  }
0x93: {  	v57 =	vshra.s32 v43, $0x2;
	v59 =	vand.u32 $0x3FF, v43;
	v44 =	vor.u32 v42, v4;
	[tilespmem:$0x4C0] =	vst v38  }
0x94: {  	v60 =	vshra.s32 v46, $0x2;
	v56 =	vor.u32 v54, v3;
	v58 =	vand.u32 $0xFFFFFC00, v57;
	[tilespmem:$0x4D0] =	vst v44  }
0x95: {  	v62 =	vand.u32 $0x3FF, v46;
	v61 =	vand.u32 $0xFFFFFC00, v60;
	[tilespmem:$0x5E0] =	vst v56;
	v0 =	vor.u32 v59, v58  }
0x96: {  	v63 =	vor.u32 v62, v61;
	[tilespmem:$0x4F0] =	vst v0  }
0x97: {  	[tilespmem:$0x5F0] =	vst v63  }
0x98: {  	[tilespmem:s16], [sflag:$0x1] =	stream.indirect.gather [hbm4b:s3+s14], $0x80, s15, s14, $0xb8;
	[tilespmem:$0x10600] =	vst v63  }
0x99: {  	_ = 	snop  }
0x9a: {  	[tilespmem:s18], [sflag:$0x2] =	stream.indirect.gather [hbm4b:s4+s14], $0x80, s17, s14, $0xb8;
	[tilespmem:$0x10600] =	vst v63  }
0x9b: {  	_ =	swait.ge [sflag:s19], $0x8000  }
0x9c: {  	[sflag:s19] =	ssyncset.done $0x0  }
0x9d: {  	[sflag:s19] =	ssyncadd.s32 $0xFFFF8000  }
0x9e: {  	_ =	swait.ge [sflag:s20], $0x8000  }
0x9f: {  	[sflag:s20] =	ssyncset.done $0x0  }
0xa0: {  	[sflag:s20] =	ssyncadd.s32 $0xFFFF8000  }
0xa1: {  	[hbm4b:s9+s1] =	stream.linear.scatter [tilespmem:s16], [sflag:$0x3], $0x8000, $0x38;
	[tilespmem:$0x10600] =	vst v63  }
0xa2: {  	_ =	swait.ge [sflag:s12], $0x8000  }
0xa3: {  	p0 =	sne.s32 s11, $0x1;
	[sflag:s12] =	ssyncset.done $0x0  }
.Ltmp0:
0xa4: {  	[sflag:s12] =	ssyncadd.s32 $0xFFFF8000;
	(pc) =	sbr.rel @p0 .LBB2_1-.Ltmp0, $4  }
0xa5: {  	[hbm4b:s10+s1] =	stream.linear.scatter [tilespmem:s18], [sflag:$0x3], $0x8000, $0x38;
	[tilespmem:$0x10600] =	vst v63  }
0xa6: {  	_ =	swait.ge [sflag:s12], $0x8000  }
0xa7: {  	[sflag:s12] =	ssyncset.done $0x0  }
0xa8: {  	s11 =	sadd.s32 $0xFFFFFFFF, s11;
	[sflag:s12] =	ssyncadd.s32 $0xFFFF8000  }
0xa9: {  	_ =	sfence.sel $0x180000  }
0xaa: {  	[bflag:$0x0] =	sbarrier.arrive $0xFFFF  }
0xab: {  	p0 =	sne.s32 s2, $0x0;
	_ =	strace $0x90000047  }
0xac: {  	s0 =	sadd.s32 @!p0 $0x100000, s0;
	[bflag:$0x2] =	sbarrier.arrive $0xFFFF  }
0xad: {  	[sflag:s0] =	ssyncadd.tile.s32 @!p0 $0x1;
	_ =	shalt  }
.Lfunc_end2:
_tile_overlayer_lowered:
.L_overlay_start_2:
0xae: {  	(tag) =	ssettag $0x2  }
0xaf: {  	s0 =	rddreg [dreg:$0x0];
	s2 =	stileid.u32  }
0xb0: {  	s1 =	rddreg [dreg:$0x1];
	p0 =	sne.s32 s2, $0x0  }
0xb1: {  	s3 =	rddreg [dreg:$0x2];
	[bflag:$0x3] =	sbarrier.arrive $0xFFFF;
	s2 =	simm.s32 @!p0 $0x1C03  }
0xb2: {  	[timem:s3], [sflag:s2] =	dma.local @!p0 [hbm:s0], s1  }
0xb3: {  	s0 =	simm.s32 @!p0 $0x3  }
0xb4: {  	_ =	swait.ge @!p0 [sflag:s0], s1  }
0xb5: {  	s1 =	ssub.s32 @!p0 $0x0, s1;
	[sflag:s0] =	ssyncset.done @!p0 $0x0  }
0xb6: {  	[sflag:s0] =	ssyncadd.s32 @!p0 s1  }
0xb7: {  	[bflag:$0x3] =	sbarrier.arrive $0xFFFF  }
0xb8: {  	_ =	shalt  }

</sc_bundles>
